<compile_context>
chip_gen: v7x
topology: tpu7x:2x2x1
jax: 0.10.2.dev20260603
libtpu: 0.0.44.dev20260713+nightly
codegen_flags: <defaults>
</compile_context>

<pallas_src>
import functools

import jax
import jax.numpy as jnp
from jax import lax
from jax.experimental import pallas as pl
from jax.experimental.pallas import tpu as pltpu
from jax.experimental.pallas import tpu_sc as plsc

_NM = 16
_N = 65536
_D = 768
_NW = 32
_BPW = _N // _NW

_mesh = plsc.VectorSubcoreMesh(core_axis_name="core", subcore_axis_name="subcore")


@jax.jit
def _sc_gather(table, idx):
    @functools.partial(
        pl.kernel,
        out_type=jax.ShapeDtypeStruct((_N, _D), table.dtype),
        mesh=_mesh,
        scratch_types=[
            pltpu.VMEM((_BPW,), jnp.int32),
            pltpu.VMEM((_NM, _D), jnp.float32),
            pltpu.SemaphoreType.DMA,
            pltpu.SemaphoreType.DMA,
        ],
    )
    def k(table_hbm, idx_hbm, out_hbm, idx_v, table_v, sem, sem2):
        wid = lax.axis_index("subcore") * 2 + lax.axis_index("core")
        base = wid * _BPW
        pltpu.sync_copy(table_hbm, table_v)
        pltpu.sync_copy(idx_hbm.at[pl.ds(base, _BPW)], idx_v)

        @pl.loop(0, _BPW, step=16)
        def _(r16):
            v = idx_v[pl.ds(r16, 16)]
            for j in range(16):
                s = v[j]
                pltpu.async_copy(
                    table_v.at[pl.ds(s, 1)],
                    out_hbm.at[pl.ds(base + r16 + j, 1)],
                    sem if j % 2 == 0 else sem2,
                )

        half = _BPW // 2
        pltpu.make_async_copy(
            out_hbm.at[pl.ds(base, half)], out_hbm.at[pl.ds(base, half)], sem
        ).wait()
        pltpu.make_async_copy(
            out_hbm.at[pl.ds(base, half)], out_hbm.at[pl.ds(base, half)], sem2
        ).wait()

    return k(table, idx)


def kernel(mark_indices, marks_weight):
    return _sc_gather(marks_weight, mark_indices.astype(jnp.int32))

# --- scband reference (transcript-rebuilt; emitter-appended) ---
"""Pipeline reference for scband-token-mark-palette-38525856645137 (READ-ONLY COPY).

The authoritative reference and input builder live on the scoring server;
editing this copy changes nothing except your own understanding.
"""

import jax, jax.numpy as jnp
import numpy as np

NUM_MARKS = 16
D_MODEL = 768
INIT_SCALE = 0.02
N = 65536

def setup_inputs(seed: int = 0) -> dict:
    key = jax.random.key(seed)
    k_idx, k_w = jax.random.split(key)
    mark_indices = jax.random.randint(k_idx, (N,), 0, NUM_MARKS, dtype=jnp.int64)
    marks_weight = jax.random.normal(k_w, (NUM_MARKS, D_MODEL), dtype=jnp.float32) * INIT_SCALE
    return {"mark_indices": mark_indices, "marks_weight": marks_weight}

def reference(mark_indices, marks_weight):
    # TokenMarkPalette.forward: embedding lookup marks(mark_indices)
    return jnp.take(marks_weight, mark_indices, axis=0)

if __name__ == "__main__":
    import jax
    _d = setup_inputs()
    print(jax.jit(kernel)(*tuple(_d.values())))

</pallas_src>

<mosaic_0001>
#map = affine_map<(d0, d1) -> (0, 0)>
#map1 = affine_map<(d0, d1) -> (0)>
module attributes {stable_mosaic.version = 14 : i64} {
  func.func @k(%arg0: i32, %arg1: i32, %arg2: memref<16x768xf32, #tpu.memory_space<hbm>>, %arg3: memref<65536xi32, #tpu.memory_space<hbm>>, %arg4: memref<65536x768xf32, #tpu.memory_space<hbm>>, %arg5: memref<2048xi32, #tpu.memory_space<vmem>>, %arg6: memref<16x768xf32, #tpu.memory_space<vmem>>, %arg7: memref<!tpu.dma_semaphore, #tpu.memory_space<semaphore_mem>>, %arg8: memref<!tpu.dma_semaphore, #tpu.memory_space<semaphore_mem>>) attributes {dimension_semantics = [#tpu.dimension_semantics<core_parallel>, #tpu.dimension_semantics<subcore_parallel>], iteration_bounds = array<i64: 2, 16>, scalar_prefetch = 0 : i64, scratch_operands = 4 : i64, tpu.core_type = #tpu.core_type<sc_vector_subcore>, window_params = [{transform_indices = #map}, {transform_indices = #map1}, {transform_indices = #map}]} {
    %mul3A = arith.constant 2 : i32
    %mul3A_0 = arith.muli %arg1, %mul3A : i32
    %add3A = arith.addi %mul3A_0, %arg0 : i32
    %mul3A_1 = arith.constant 2048 : i32
    %mul3A_2 = arith.muli %add3A, %mul3A_1 : i32
    "tpu.region"() ({
      %run_scoped3A = tpu.sem_alloc : memref<!tpu.dma_semaphore, #tpu.memory_space<semaphore_mem>>
      tpu.enqueue_dma source(%arg2 : memref<16x768xf32, #tpu.memory_space<hbm>>) target(%arg6 : memref<16x768xf32, #tpu.memory_space<vmem>>) target_semaphore(%run_scoped3A : memref<!tpu.dma_semaphore, #tpu.memory_space<semaphore_mem>>)
      tpu.wait_dma2 semaphore(%run_scoped3A : memref<!tpu.dma_semaphore, #tpu.memory_space<semaphore_mem>>) src(%arg2 : memref<16x768xf32, #tpu.memory_space<hbm>>) dst(%arg6 : memref<16x768xf32, #tpu.memory_space<vmem>>)
      tpu.yield
    }) : () -> ()
    "tpu.region"() ({
      %run_scoped3A = tpu.sem_alloc : memref<!tpu.dma_semaphore, #tpu.memory_space<semaphore_mem>>
      %dma_start3A = tpu.memref_slice %arg3[%mul3A_2] : memref<65536xi32, #tpu.memory_space<hbm>> -> memref<2048xi32, #tpu.memory_space<hbm>>
      %dma_start3A_14 = tpu.memref_slice %arg3[%mul3A_2] : memref<65536xi32, #tpu.memory_space<hbm>> -> memref<2048xi32, #tpu.memory_space<hbm>>
      tpu.enqueue_dma source(%dma_start3A_14 : memref<2048xi32, #tpu.memory_space<hbm>>) target(%arg5 : memref<2048xi32, #tpu.memory_space<vmem>>) target_semaphore(%run_scoped3A : memref<!tpu.dma_semaphore, #tpu.memory_space<semaphore_mem>>)
      %dma_wait3A_15 = tpu.memref_slice %arg3[%mul3A_2] : memref<65536xi32, #tpu.memory_space<hbm>> -> memref<2048xi32, #tpu.memory_space<hbm>>
      %dma_wait3A_16 = tpu.memref_slice %arg3[%mul3A_2] : memref<65536xi32, #tpu.memory_space<hbm>> -> memref<2048xi32, #tpu.memory_space<hbm>>
      tpu.wait_dma2 semaphore(%run_scoped3A : memref<!tpu.dma_semaphore, #tpu.memory_space<semaphore_mem>>) src(%dma_wait3A_16 : memref<2048xi32, #tpu.memory_space<hbm>>) dst(%arg5 : memref<2048xi32, #tpu.memory_space<vmem>>)
      tpu.yield
    }) : () -> ()
    %scan3A = arith.constant 0 : i32
    %scan3A_3 = arith.constant 128 : i32
    %scan3A_4 = arith.addi %scan3A, %scan3A_3 : i32
    %scan3A_5 = arith.constant 1 : i32
    scf.for %scan3A_14 = %scan3A to %scan3A_4 step %scan3A_5  : i32 {
      %mul3A_15 = arith.constant 16 : i32
      %mul3A_16 = arith.muli %scan3A_14, %mul3A_15 : i32
      %add3A_17 = arith.constant 0 : i32
      %add3A_18 = arith.addi %add3A_17, %mul3A_16 : i32
      %get3A = arith.index_cast %add3A_18 : i32 to index
      %get3A_19 = tpu.vector_load %arg5[%get3A] {strides = array<i32>} : memref<2048xi32, #tpu.memory_space<vmem>>, vector<16xi32>,
      %get3A_20 = vector.shape_cast %get3A_19 : vector<16xi32> to vector<16xi32>
      %slice3A = vector.extract_strided_slice %get3A_20 {offsets = [0], sizes = [1], strides = [1]} : vector<16xi32> to vector<1xi32>
      %squeeze3A = vector.extract %slice3A[0] : i32 from vector<1xi32>
      %add3A_21 = arith.addi %mul3A_2, %add3A_18 : i32
      %add3A_22 = arith.constant 0 : i32
      %add3A_23 = arith.addi %add3A_21, %add3A_22 : i32
      %dma_start3A = arith.constant 0 : i32
      %dma_start3A_24 = tpu.memref_slice %arg6[%squeeze3A, %dma_start3A] : memref<16x768xf32, #tpu.memory_space<vmem>> -> memref<1x768xf32, #tpu.memory_space<vmem>>
      %dma_start3A_25 = arith.constant 0 : i32
      %dma_start3A_26 = tpu.memref_slice %arg4[%add3A_23, %dma_start3A_25] : memref<65536x768xf32, #tpu.memory_space<hbm>> -> memref<1x768xf32, #tpu.memory_space<hbm>>
      %dma_start3A_27 = arith.constant 0 : i32
      %dma_start3A_28 = tpu.memref_slice %arg4[%add3A_23, %dma_start3A_27] : memref<65536x768xf32, #tpu.memory_space<hbm>> -> memref<1x768xf32, #tpu.memory_space<hbm>>
      %dma_start3A_29 = arith.constant 0 : i32
      %dma_start3A_30 = tpu.memref_slice %arg6[%squeeze3A, %dma_start3A_29] : memref<16x768xf32, #tpu.memory_space<vmem>> -> memref<1x768xf32, #tpu.memory_space<vmem>>
      tpu.enqueue_dma source(%dma_start3A_30 : memref<1x768xf32, #tpu.memory_space<vmem>>) target(%dma_start3A_28 : memref<1x768xf32, #tpu.memory_space<hbm>>) target_semaphore(%arg7 : memref<!tpu.dma_semaphore, #tpu.memory_space<semaphore_mem>>)
      %slice3A_31 = vector.extract_strided_slice %get3A_20 {offsets = [1], sizes = [1], strides = [1]} : vector<16xi32> to vector<1xi32>
      %squeeze3A_32 = vector.extract %slice3A_31[0] : i32 from vector<1xi32>
      %add3A_33 = arith.addi %mul3A_2, %add3A_18 : i32
      %add3A_34 = arith.constant 1 : i32
      %add3A_35 = arith.addi %add3A_33, %add3A_34 : i32
      %dma_start3A_36 = arith.constant 0 : i32
      %dma_start3A_37 = tpu.memref_slice %arg6[%squeeze3A_32, %dma_start3A_36] : memref<16x768xf32, #tpu.memory_space<vmem>> -> memref<1x768xf32, #tpu.memory_space<vmem>>
      %dma_start3A_38 = arith.constant 0 : i32
      %dma_start3A_39 = tpu.memref_slice %arg4[%add3A_35, %dma_start3A_38] : memref<65536x768xf32, #tpu.memory_space<hbm>> -> memref<1x768xf32, #tpu.memory_space<hbm>>
      %dma_start3A_40 = arith.constant 0 : i32
      %dma_start3A_41 = tpu.memref_slice %arg4[%add3A_35, %dma_start3A_40] : memref<65536x768xf32, #tpu.memory_space<hbm>> -> memref<1x768xf32, #tpu.memory_space<hbm>>
      %dma_start3A_42 = arith.constant 0 : i32
      %dma_start3A_43 = tpu.memref_slice %arg6[%squeeze3A_32, %dma_start3A_42] : memref<16x768xf32, #tpu.memory_space<vmem>> -> memref<1x768xf32, #tpu.memory_space<vmem>>
      tpu.enqueue_dma source(%dma_start3A_43 : memref<1x768xf32, #tpu.memory_space<vmem>>) target(%dma_start3A_41 : memref<1x768xf32, #tpu.memory_space<hbm>>) target_semaphore(%arg8 : memref<!tpu.dma_semaphore, #tpu.memory_space<semaphore_mem>>)
      %slice3A_44 = vector.extract_strided_slice %get3A_20 {offsets = [2], sizes = [1], strides = [1]} : vector<16xi32> to vector<1xi32>
      %squeeze3A_45 = vector.extract %slice3A_44[0] : i32 from vector<1xi32>
      %add3A_46 = arith.addi %mul3A_2, %add3A_18 : i32
      %add3A_47 = arith.constant 2 : i32
      %add3A_48 = arith.addi %add3A_46, %add3A_47 : i32
      %dma_start3A_49 = arith.constant 0 : i32
      %dma_start3A_50 = tpu.memref_slice %arg6[%squeeze3A_45, %dma_start3A_49] : memref<16x768xf32, #tpu.memory_space<vmem>> -> memref<1x768xf32, #tpu.memory_space<vmem>>
      %dma_start3A_51 = arith.constant 0 : i32
      %dma_start3A_52 = tpu.memref_slice %arg4[%add3A_48, %dma_start3A_51] : memref<65536x768xf32, #tpu.memory_space<hbm>> -> memref<1x768xf32, #tpu.memory_space<hbm>>
      %dma_start3A_53 = arith.constant 0 : i32
      %dma_start3A_54 = tpu.memref_slice %arg4[%add3A_48, %dma_start3A_53] : memref<65536x768xf32, #tpu.memory_space<hbm>> -> memref<1x768xf32, #tpu.memory_space<hbm>>
      %dma_start3A_55 = arith.constant 0 : i32
      %dma_start3A_56 = tpu.memref_slice %arg6[%squeeze3A_45, %dma_start3A_55] : memref<16x768xf32, #tpu.memory_space<vmem>> -> memref<1x768xf32, #tpu.memory_space<vmem>>
      tpu.enqueue_dma source(%dma_start3A_56 : memref<1x768xf32, #tpu.memory_space<vmem>>) target(%dma_start3A_54 : memref<1x768xf32, #tpu.memory_space<hbm>>) target_semaphore(%arg7 : memref<!tpu.dma_semaphore, #tpu.memory_space<semaphore_mem>>)
      %slice3A_57 = vector.extract_strided_slice %get3A_20 {offsets = [3], sizes = [1], strides = [1]} : vector<16xi32> to vector<1xi32>
      %squeeze3A_58 = vector.extract %slice3A_57[0] : i32 from vector<1xi32>
      %add3A_59 = arith.addi %mul3A_2, %add3A_18 : i32
      %add3A_60 = arith.constant 3 : i32
      %add3A_61 = arith.addi %add3A_59, %add3A_60 : i32
      %dma_start3A_62 = arith.constant 0 : i32
      %dma_start3A_63 = tpu.memref_slice %arg6[%squeeze3A_58, %dma_start3A_62] : memref<16x768xf32, #tpu.memory_space<vmem>> -> memref<1x768xf32, #tpu.memory_space<vmem>>
      %dma_start3A_64 = arith.constant 0 : i32
      %dma_start3A_65 = tpu.memref_slice %arg4[%add3A_61, %dma_start3A_64] : memref<65536x768xf32, #tpu.memory_space<hbm>> -> memref<1x768xf32, #tpu.memory_space<hbm>>
      %dma_start3A_66 = arith.constant 0 : i32
      %dma_start3A_67 = tpu.memref_slice %arg4[%add3A_61, %dma_start3A_66] : memref<65536x768xf32, #tpu.memory_space<hbm>> -> memref<1x768xf32, #tpu.memory_space<hbm>>
      %dma_start3A_68 = arith.constant 0 : i32
      %dma_start3A_69 = tpu.memref_slice %arg6[%squeeze3A_58, %dma_start3A_68] : memref<16x768xf32, #tpu.memory_space<vmem>> -> memref<1x768xf32, #tpu.memory_space<vmem>>
      tpu.enqueue_dma source(%dma_start3A_69 : memref<1x768xf32, #tpu.memory_space<vmem>>) target(%dma_start3A_67 : memref<1x768xf32, #tpu.memory_space<hbm>>) target_semaphore(%arg8 : memref<!tpu.dma_semaphore, #tpu.memory_space<semaphore_mem>>)
      %slice3A_70 = vector.extract_strided_slice %get3A_20 {offsets = [4], sizes = [1], strides = [1]} : vector<16xi32> to vector<1xi32>
      %squeeze3A_71 = vector.extract %slice3A_70[0] : i32 from vector<1xi32>
      %add3A_72 = arith.addi %mul3A_2, %add3A_18 : i32
      %add3A_73 = arith.constant 4 : i32
      %add3A_74 = arith.addi %add3A_72, %add3A_73 : i32
      %dma_start3A_75 = arith.constant 0 : i32
      %dma_start3A_76 = tpu.memref_slice %arg6[%squeeze3A_71, %dma_start3A_75] : memref<16x768xf32, #tpu.memory_space<vmem>> -> memref<1x768xf32, #tpu.memory_space<vmem>>
      %dma_start3A_77 = arith.constant 0 : i32
      %dma_start3A_78 = tpu.memref_slice %arg4[%add3A_74, %dma_start3A_77] : memref<65536x768xf32, #tpu.memory_space<hbm>> -> memref<1x768xf32, #tpu.memory_space<hbm>>
      %dma_start3A_79 = arith.constant 0 : i32
      %dma_start3A_80 = tpu.memref_slice %arg4[%add3A_74, %dma_start3A_79] : memref<65536x768xf32, #tpu.memory_space<hbm>> -> memref<1x768xf32, #tpu.memory_space<hbm>>
      %dma_start3A_81 = arith.constant 0 : i32
      %dma_start3A_82 = tpu.memref_slice %arg6[%squeeze3A_71, %dma_start3A_81] : memref<16x768xf32, #tpu.memory_space<vmem>> -> memref<1x768xf32, #tpu.memory_space<vmem>>
      tpu.enqueue_dma source(%dma_start3A_82 : memref<1x768xf32, #tpu.memory_space<vmem>>) target(%dma_start3A_80 : memref<1x768xf32, #tpu.memory_space<hbm>>) target_semaphore(%arg7 : memref<!tpu.dma_semaphore, #tpu.memory_space<semaphore_mem>>)
      %slice3A_83 = vector.extract_strided_slice %get3A_20 {offsets = [5], sizes = [1], strides = [1]} : vector<16xi32> to vector<1xi32>
      %squeeze3A_84 = vector.extract %slice3A_83[0] : i32 from vector<1xi32>
      %add3A_85 = arith.addi %mul3A_2, %add3A_18 : i32
      %add3A_86 = arith.constant 5 : i32
      %add3A_87 = arith.addi %add3A_85, %add3A_86 : i32
      %dma_start3A_88 = arith.constant 0 : i32
      %dma_start3A_89 = tpu.memref_slice %arg6[%squeeze3A_84, %dma_start3A_88] : memref<16x768xf32, #tpu.memory_space<vmem>> -> memref<1x768xf32, #tpu.memory_space<vmem>>
      %dma_start3A_90 = arith.constant 0 : i32
      %dma_start3A_91 = tpu.memref_slice %arg4[%add3A_87, %dma_start3A_90] : memref<65536x768xf32, #tpu.memory_space<hbm>> -> memref<1x768xf32, #tpu.memory_space<hbm>>
      %dma_start3A_92 = arith.constant 0 : i32
      %dma_start3A_93 = tpu.memref_slice %arg4[%add3A_87, %dma_start3A_92] : memref<65536x768xf32, #tpu.memory_space<hbm>> -> memref<1x768xf32, #tpu.memory_space<hbm>>
      %dma_start3A_94 = arith.constant 0 : i32
      %dma_start3A_95 = tpu.memref_slice %arg6[%squeeze3A_84, %dma_start3A_94] : memref<16x768xf32, #tpu.memory_space<vmem>> -> memref<1x768xf32, #tpu.memory_space<vmem>>
      tpu.enqueue_dma source(%dma_start3A_95 : memref<1x768xf32, #tpu.memory_space<vmem>>) target(%dma_start3A_93 : memref<1x768xf32, #tpu.memory_space<hbm>>) target_semaphore(%arg8 : memref<!tpu.dma_semaphore, #tpu.memory_space<semaphore_mem>>)
      %slice3A_96 = vector.extract_strided_slice %get3A_20 {offsets = [6], sizes = [1], strides = [1]} : vector<16xi32> to vector<1xi32>
      %squeeze3A_97 = vector.extract %slice3A_96[0] : i32 from vector<1xi32>
      %add3A_98 = arith.addi %mul3A_2, %add3A_18 : i32
      %add3A_99 = arith.constant 6 : i32
      %add3A_100 = arith.addi %add3A_98, %add3A_99 : i32
      %dma_start3A_101 = arith.constant 0 : i32
      %dma_start3A_102 = tpu.memref_slice %arg6[%squeeze3A_97, %dma_start3A_101] : memref<16x768xf32, #tpu.memory_space<vmem>> -> memref<1x768xf32, #tpu.memory_space<vmem>>
      %dma_start3A_103 = arith.constant 0 : i32
      %dma_start3A_104 = tpu.memref_slice %arg4[%add3A_100, %dma_start3A_103] : memref<65536x768xf32, #tpu.memory_space<hbm>> -> memref<1x768xf32, #tpu.memory_space<hbm>>
      %dma_start3A_105 = arith.constant 0 : i32
      %dma_start3A_106 = tpu.memref_slice %arg4[%add3A_100, %dma_start3A_105] : memref<65536x768xf32, #tpu.memory_space<hbm>> -> memref<1x768xf32, #tpu.memory_space<hbm>>
      %dma_start3A_107 = arith.constant 0 : i32
      %dma_start3A_108 = tpu.memref_slice %arg6[%squeeze3A_97, %dma_start3A_107] : memref<16x768xf32, #tpu.memory_space<vmem>> -> memref<1x768xf32, #tpu.memory_space<vmem>>
      tpu.enqueue_dma source(%dma_start3A_108 : memref<1x768xf32, #tpu.memory_space<vmem>>) target(%dma_start3A_106 : memref<1x768xf32, #tpu.memory_space<hbm>>) target_semaphore(%arg7 : memref<!tpu.dma_semaphore, #tpu.memory_space<semaphore_mem>>)
      %slice3A_109 = vector.extract_strided_slice %get3A_20 {offsets = [7], sizes = [1], strides = [1]} : vector<16xi32> to vector<1xi32>
      %squeeze3A_110 = vector.extract %slice3A_109[0] : i32 from vector<1xi32>
      %add3A_111 = arith.addi %mul3A_2, %add3A_18 : i32
      %add3A_112 = arith.constant 7 : i32
      %add3A_113 = arith.addi %add3A_111, %add3A_112 : i32
      %dma_start3A_114 = arith.constant 0 : i32
      %dma_start3A_115 = tpu.memref_slice %arg6[%squeeze3A_110, %dma_start3A_114] : memref<16x768xf32, #tpu.memory_space<vmem>> -> memref<1x768xf32, #tpu.memory_space<vmem>>
      %dma_start3A_116 = arith.constant 0 : i32
      %dma_start3A_117 = tpu.memref_slice %arg4[%add3A_113, %dma_start3A_116] : memref<65536x768xf32, #tpu.memory_space<hbm>> -> memref<1x768xf32, #tpu.memory_space<hbm>>
      %dma_start3A_118 = arith.constant 0 : i32
      %dma_start3A_119 = tpu.memref_slice %arg4[%add3A_113, %dma_start3A_118] : memref<65536x768xf32, #tpu.memory_space<hbm>> -> memref<1x768xf32, #tpu.memory_space<hbm>>
      %dma_start3A_120 = arith.constant 0 : i32
      %dma_start3A_121 = tpu.memref_slice %arg6[%squeeze3A_110, %dma_start3A_120] : memref<16x768xf32, #tpu.memory_space<vmem>> -> memref<1x768xf32, #tpu.memory_space<vmem>>
      tpu.enqueue_dma source(%dma_start3A_121 : memref<1x768xf32, #tpu.memory_space<vmem>>) target(%dma_start3A_119 : memref<1x768xf32, #tpu.memory_space<hbm>>) target_semaphore(%arg8 : memref<!tpu.dma_semaphore, #tpu.memory_space<semaphore_mem>>)
      %slice3A_122 = vector.extract_strided_slice %get3A_20 {offsets = [8], sizes = [1], strides = [1]} : vector<16xi32> to vector<1xi32>
      %squeeze3A_123 = vector.extract %slice3A_122[0] : i32 from vector<1xi32>
      %add3A_124 = arith.addi %mul3A_2, %add3A_18 : i32
      %add3A_125 = arith.constant 8 : i32
      %add3A_126 = arith.addi %add3A_124, %add3A_125 : i32
      %dma_start3A_127 = arith.constant 0 : i32
      %dma_start3A_128 = tpu.memref_slice %arg6[%squeeze3A_123, %dma_start3A_127] : memref<16x768xf32, #tpu.memory_space<vmem>> -> memref<1x768xf32, #tpu.memory_space<vmem>>
      %dma_start3A_129 = arith.constant 0 : i32
      %dma_start3A_130 = tpu.memref_slice %arg4[%add3A_126, %dma_start3A_129] : memref<65536x768xf32, #tpu.memory_space<hbm>> -> memref<1x768xf32, #tpu.memory_space<hbm>>
      %dma_start3A_131 = arith.constant 0 : i32
      %dma_start3A_132 = tpu.memref_slice %arg4[%add3A_126, %dma_start3A_131] : memref<65536x768xf32, #tpu.memory_space<hbm>> -> memref<1x768xf32, #tpu.memory_space<hbm>>
      %dma_start3A_133 = arith.constant 0 : i32
      %dma_start3A_134 = tpu.memref_slice %arg6[%squeeze3A_123, %dma_start3A_133] : memref<16x768xf32, #tpu.memory_space<vmem>> -> memref<1x768xf32, #tpu.memory_space<vmem>>
      tpu.enqueue_dma source(%dma_start3A_134 : memref<1x768xf32, #tpu.memory_space<vmem>>) target(%dma_start3A_132 : memref<1x768xf32, #tpu.memory_space<hbm>>) target_semaphore(%arg7 : memref<!tpu.dma_semaphore, #tpu.memory_space<semaphore_mem>>)
      %slice3A_135 = vector.extract_strided_slice %get3A_20 {offsets = [9], sizes = [1], strides = [1]} : vector<16xi32> to vector<1xi32>
      %squeeze3A_136 = vector.extract %slice3A_135[0] : i32 from vector<1xi32>
      %add3A_137 = arith.addi %mul3A_2, %add3A_18 : i32
      %add3A_138 = arith.constant 9 : i32
      %add3A_139 = arith.addi %add3A_137, %add3A_138 : i32
      %dma_start3A_140 = arith.constant 0 : i32
      %dma_start3A_141 = tpu.memref_slice %arg6[%squeeze3A_136, %dma_start3A_140] : memref<16x768xf32, #tpu.memory_space<vmem>> -> memref<1x768xf32, #tpu.memory_space<vmem>>
      %dma_start3A_142 = arith.constant 0 : i32
      %dma_start3A_143 = tpu.memref_slice %arg4[%add3A_139, %dma_start3A_142] : memref<65536x768xf32, #tpu.memory_space<hbm>> -> memref<1x768xf32, #tpu.memory_space<hbm>>
      %dma_start3A_144 = arith.constant 0 : i32
      %dma_start3A_145 = tpu.memref_slice %arg4[%add3A_139, %dma_start3A_144] : memref<65536x768xf32, #tpu.memory_space<hbm>> -> memref<1x768xf32, #tpu.memory_space<hbm>>
      %dma_start3A_146 = arith.constant 0 : i32
      %dma_start3A_147 = tpu.memref_slice %arg6[%squeeze3A_136, %dma_start3A_146] : memref<16x768xf32, #tpu.memory_space<vmem>> -> memref<1x768xf32, #tpu.memory_space<vmem>>
      tpu.enqueue_dma source(%dma_start3A_147 : memref<1x768xf32, #tpu.memory_space<vmem>>) target(%dma_start3A_145 : memref<1x768xf32, #tpu.memory_space<hbm>>) target_semaphore(%arg8 : memref<!tpu.dma_semaphore, #tpu.memory_space<semaphore_mem>>)
      %slice3A_148 = vector.extract_strided_slice %get3A_20 {offsets = [10], sizes = [1], strides = [1]} : vector<16xi32> to vector<1xi32>
      %squeeze3A_149 = vector.extract %slice3A_148[0] : i32 from vector<1xi32>
      %add3A_150 = arith.addi %mul3A_2, %add3A_18 : i32
      %add3A_151 = arith.constant 10 : i32
      %add3A_152 = arith.addi %add3A_150, %add3A_151 : i32
      %dma_start3A_153 = arith.constant 0 : i32
      %dma_start3A_154 = tpu.memref_slice %arg6[%squeeze3A_149, %dma_start3A_153] : memref<16x768xf32, #tpu.memory_space<vmem>> -> memref<1x768xf32, #tpu.memory_space<vmem>>
      %dma_start3A_155 = arith.constant 0 : i32
      %dma_start3A_156 = tpu.memref_slice %arg4[%add3A_152, %dma_start3A_155] : memref<65536x768xf32, #tpu.memory_space<hbm>> -> memref<1x768xf32, #tpu.memory_space<hbm>>
      %dma_start3A_157 = arith.constant 0 : i32
      %dma_start3A_158 = tpu.memref_slice %arg4[%add3A_152, %dma_start3A_157] : memref<65536x768xf32, #tpu.memory_space<hbm>> -> memref<1x768xf32, #tpu.memory_space<hbm>>
      %dma_start3A_159 = arith.constant 0 : i32
      %dma_start3A_160 = tpu.memref_slice %arg6[%squeeze3A_149, %dma_start3A_159] : memref<16x768xf32, #tpu.memory_space<vmem>> -> memref<1x768xf32, #tpu.memory_space<vmem>>
      tpu.enqueue_dma source(%dma_start3A_160 : memref<1x768xf32, #tpu.memory_space<vmem>>) target(%dma_start3A_158 : memref<1x768xf32, #tpu.memory_space<hbm>>) target_semaphore(%arg7 : memref<!tpu.dma_semaphore, #tpu.memory_space<semaphore_mem>>)
      %slice3A_161 = vector.extract_strided_slice %get3A_20 {offsets = [11], sizes = [1], strides = [1]} : vector<16xi32> to vector<1xi32>
      %squeeze3A_162 = vector.extract %slice3A_161[0] : i32 from vector<1xi32>
      %add3A_163 = arith.addi %mul3A_2, %add3A_18 : i32
      %add3A_164 = arith.constant 11 : i32
      %add3A_165 = arith.addi %add3A_163, %add3A_164 : i32
      %dma_start3A_166 = arith.constant 0 : i32
      %dma_start3A_167 = tpu.memref_slice %arg6[%squeeze3A_162, %dma_start3A_166] : memref<16x768xf32, #tpu.memory_space<vmem>> -> memref<1x768xf32, #tpu.memory_space<vmem>>
      %dma_start3A_168 = arith.constant 0 : i32
      %dma_start3A_169 = tpu.memref_slice %arg4[%add3A_165, %dma_start3A_168] : memref<65536x768xf32, #tpu.memory_space<hbm>> -> memref<1x768xf32, #tpu.memory_space<hbm>>
      %dma_start3A_170 = arith.constant 0 : i32
      %dma_start3A_171 = tpu.memref_slice %arg4[%add3A_165, %dma_start3A_170] : memref<65536x768xf32, #tpu.memory_space<hbm>> -> memref<1x768xf32, #tpu.memory_space<hbm>>
      %dma_start3A_172 = arith.constant 0 : i32
      %dma_start3A_173 = tpu.memref_slice %arg6[%squeeze3A_162, %dma_start3A_172] : memref<16x768xf32, #tpu.memory_space<vmem>> -> memref<1x768xf32, #tpu.memory_space<vmem>>
      tpu.enqueue_dma source(%dma_start3A_173 : memref<1x768xf32, #tpu.memory_space<vmem>>) target(%dma_start3A_171 : memref<1x768xf32, #tpu.memory_space<hbm>>) target_semaphore(%arg8 : memref<!tpu.dma_semaphore, #tpu.memory_space<semaphore_mem>>)
      %slice3A_174 = vector.extract_strided_slice %get3A_20 {offsets = [12], sizes = [1], strides = [1]} : vector<16xi32> to vector<1xi32>
      %squeeze3A_175 = vector.extract %slice3A_174[0] : i32 from vector<1xi32>
      %add3A_176 = arith.addi %mul3A_2, %add3A_18 : i32
      %add3A_177 = arith.constant 12 : i32
      %add3A_178 = arith.addi %add3A_176, %add3A_177 : i32
      %dma_start3A_179 = arith.constant 0 : i32
      %dma_start3A_180 = tpu.memref_slice %arg6[%squeeze3A_175, %dma_start3A_179] : memref<16x768xf32, #tpu.memory_space<vmem>> -> memref<1x768xf32, #tpu.memory_space<vmem>>
      %dma_start3A_181 = arith.constant 0 : i32
      %dma_start3A_182 = tpu.memref_slice %arg4[%add3A_178, %dma_start3A_181] : memref<65536x768xf32, #tpu.memory_space<hbm>> -> memref<1x768xf32, #tpu.memory_space<hbm>>
      %dma_start3A_183 = arith.constant 0 : i32
      %dma_start3A_184 = tpu.memref_slice %arg4[%add3A_178, %dma_start3A_183] : memref<65536x768xf32, #tpu.memory_space<hbm>> -> memref<1x768xf32, #tpu.memory_space<hbm>>
      %dma_start3A_185 = arith.constant 0 : i32
      %dma_start3A_186 = tpu.memref_slice %arg6[%squeeze3A_175, %dma_start3A_185] : memref<16x768xf32, #tpu.memory_space<vmem>> -> memref<1x768xf32, #tpu.memory_space<vmem>>
      tpu.enqueue_dma source(%dma_start3A_186 : memref<1x768xf32, #tpu.memory_space<vmem>>) target(%dma_start3A_184 : memref<1x768xf32, #tpu.memory_space<hbm>>) target_semaphore(%arg7 : memref<!tpu.dma_semaphore, #tpu.memory_space<semaphore_mem>>)
      %slice3A_187 = vector.extract_strided_slice %get3A_20 {offsets = [13], sizes = [1], strides = [1]} : vector<16xi32> to vector<1xi32>
      %squeeze3A_188 = vector.extract %slice3A_187[0] : i32 from vector<1xi32>
      %add3A_189 = arith.addi %mul3A_2, %add3A_18 : i32
      %add3A_190 = arith.constant 13 : i32
      %add3A_191 = arith.addi %add3A_189, %add3A_190 : i32
      %dma_start3A_192 = arith.constant 0 : i32
      %dma_start3A_193 = tpu.memref_slice %arg6[%squeeze3A_188, %dma_start3A_192] : memref<16x768xf32, #tpu.memory_space<vmem>> -> memref<1x768xf32, #tpu.memory_space<vmem>>
      %dma_start3A_194 = arith.constant 0 : i32
      %dma_start3A_195 = tpu.memref_slice %arg4[%add3A_191, %dma_start3A_194] : memref<65536x768xf32, #tpu.memory_space<hbm>> -> memref<1x768xf32, #tpu.memory_space<hbm>>
      %dma_start3A_196 = arith.constant 0 : i32
      %dma_start3A_197 = tpu.memref_slice %arg4[%add3A_191, %dma_start3A_196] : memref<65536x768xf32, #tpu.memory_space<hbm>> -> memref<1x768xf32, #tpu.memory_space<hbm>>
      %dma_start3A_198 = arith.constant 0 : i32
      %dma_start3A_199 = tpu.memref_slice %arg6[%squeeze3A_188, %dma_start3A_198] : memref<16x768xf32, #tpu.memory_space<vmem>> -> memref<1x768xf32, #tpu.memory_space<vmem>>
      tpu.enqueue_dma source(%dma_start3A_199 : memref<1x768xf32, #tpu.memory_space<vmem>>) target(%dma_start3A_197 : memref<1x768xf32, #tpu.memory_space<hbm>>) target_semaphore(%arg8 : memref<!tpu.dma_semaphore, #tpu.memory_space<semaphore_mem>>)
      %slice3A_200 = vector.extract_strided_slice %get3A_20 {offsets = [14], sizes = [1], strides = [1]} : vector<16xi32> to vector<1xi32>
      %squeeze3A_201 = vector.extract %slice3A_200[0] : i32 from vector<1xi32>
      %add3A_202 = arith.addi %mul3A_2, %add3A_18 : i32
      %add3A_203 = arith.constant 14 : i32
      %add3A_204 = arith.addi %add3A_202, %add3A_203 : i32
      %dma_start3A_205 = arith.constant 0 : i32
      %dma_start3A_206 = tpu.memref_slice %arg6[%squeeze3A_201, %dma_start3A_205] : memref<16x768xf32, #tpu.memory_space<vmem>> -> memref<1x768xf32, #tpu.memory_space<vmem>>
      %dma_start3A_207 = arith.constant 0 : i32
      %dma_start3A_208 = tpu.memref_slice %arg4[%add3A_204, %dma_start3A_207] : memref<65536x768xf32, #tpu.memory_space<hbm>> -> memref<1x768xf32, #tpu.memory_space<hbm>>
      %dma_start3A_209 = arith.constant 0 : i32
      %dma_start3A_210 = tpu.memref_slice %arg4[%add3A_204, %dma_start3A_209] : memref<65536x768xf32, #tpu.memory_space<hbm>> -> memref<1x768xf32, #tpu.memory_space<hbm>>
      %dma_start3A_211 = arith.constant 0 : i32
      %dma_start3A_212 = tpu.memref_slice %arg6[%squeeze3A_201, %dma_start3A_211] : memref<16x768xf32, #tpu.memory_space<vmem>> -> memref<1x768xf32, #tpu.memory_space<vmem>>
      tpu.enqueue_dma source(%dma_start3A_212 : memref<1x768xf32, #tpu.memory_space<vmem>>) target(%dma_start3A_210 : memref<1x768xf32, #tpu.memory_space<hbm>>) target_semaphore(%arg7 : memref<!tpu.dma_semaphore, #tpu.memory_space<semaphore_mem>>)
      %slice3A_213 = vector.extract_strided_slice %get3A_20 {offsets = [15], sizes = [1], strides = [1]} : vector<16xi32> to vector<1xi32>
      %squeeze3A_214 = vector.extract %slice3A_213[0] : i32 from vector<1xi32>
      %add3A_215 = arith.addi %mul3A_2, %add3A_18 : i32
      %add3A_216 = arith.constant 15 : i32
      %add3A_217 = arith.addi %add3A_215, %add3A_216 : i32
      %dma_start3A_218 = arith.constant 0 : i32
      %dma_start3A_219 = tpu.memref_slice %arg6[%squeeze3A_214, %dma_start3A_218] : memref<16x768xf32, #tpu.memory_space<vmem>> -> memref<1x768xf32, #tpu.memory_space<vmem>>
      %dma_start3A_220 = arith.constant 0 : i32
      %dma_start3A_221 = tpu.memref_slice %arg4[%add3A_217, %dma_start3A_220] : memref<65536x768xf32, #tpu.memory_space<hbm>> -> memref<1x768xf32, #tpu.memory_space<hbm>>
      %dma_start3A_222 = arith.constant 0 : i32
      %dma_start3A_223 = tpu.memref_slice %arg4[%add3A_217, %dma_start3A_222] : memref<65536x768xf32, #tpu.memory_space<hbm>> -> memref<1x768xf32, #tpu.memory_space<hbm>>
      %dma_start3A_224 = arith.constant 0 : i32
      %dma_start3A_225 = tpu.memref_slice %arg6[%squeeze3A_214, %dma_start3A_224] : memref<16x768xf32, #tpu.memory_space<vmem>> -> memref<1x768xf32, #tpu.memory_space<vmem>>
      tpu.enqueue_dma source(%dma_start3A_225 : memref<1x768xf32, #tpu.memory_space<vmem>>) target(%dma_start3A_223 : memref<1x768xf32, #tpu.memory_space<hbm>>) target_semaphore(%arg8 : memref<!tpu.dma_semaphore, #tpu.memory_space<semaphore_mem>>)
    }
    %scan3A_6 = arith.constant 128 : i32
    %dma_wait3A = arith.constant 0 : i32
    %dma_wait3A_7 = tpu.memref_slice %arg4[%mul3A_2, %dma_wait3A] : memref<65536x768xf32, #tpu.memory_space<hbm>> -> memref<1024x768xf32, #tpu.memory_space<hbm>>
    %dma_wait3A_8 = arith.constant 0 : i32
    %dma_wait3A_9 = tpu.memref_slice %arg4[%mul3A_2, %dma_wait3A_8] : memref<65536x768xf32, #tpu.memory_space<hbm>> -> memref<1024x768xf32, #tpu.memory_space<hbm>>
    tpu.wait_dma2 semaphore(%arg7 : memref<!tpu.dma_semaphore, #tpu.memory_space<semaphore_mem>>) src(%dma_wait3A_9 : memref<1024x768xf32, #tpu.memory_space<hbm>>) dst(%dma_wait3A_7 : memref<1024x768xf32, #tpu.memory_space<hbm>>)
    %dma_wait3A_10 = arith.constant 0 : i32
    %dma_wait3A_11 = tpu.memref_slice %arg4[%mul3A_2, %dma_wait3A_10] : memref<65536x768xf32, #tpu.memory_space<hbm>> -> memref<1024x768xf32, #tpu.memory_space<hbm>>
    %dma_wait3A_12 = arith.constant 0 : i32
    %dma_wait3A_13 = tpu.memref_slice %arg4[%mul3A_2, %dma_wait3A_12] : memref<65536x768xf32, #tpu.memory_space<hbm>> -> memref<1024x768xf32, #tpu.memory_space<hbm>>
    tpu.wait_dma2 semaphore(%arg8 : memref<!tpu.dma_semaphore, #tpu.memory_space<semaphore_mem>>) src(%dma_wait3A_13 : memref<1024x768xf32, #tpu.memory_space<hbm>>) dst(%dma_wait3A_11 : memref<1024x768xf32, #tpu.memory_space<hbm>>)
    return
  }
}

</mosaic_0001>

<sc_bundles>
// kernel: _sc_gather.3.cloned.1.call-start
scs
__scs_entry_jumppad:
0x0: {  	(pc) =	sbr.rel $0x88, $3  }
0x1: {  	(tag) =	ssettag $0x0;
	lr =	simm.s32 $0x1  }
0x2: {  	[smem:$0x3F9F] =	sst lr;
	_ =	strace $0xD0000000  }
0x3: {  	_ = 	snop  }
0x4: {  	_ = 	snop  }
0x5: {  	_ = 	snop  }
0x6: {  	_ = 	snop  }
0x7: {  	_ = 	snop  }
__scs_overlays_trampoline_lowered:
0x8: {  	[smem:$0x3FAE] =	sst s0  }
0x9: {  	[smem:$0x3FAF] =	sst s1  }
0xa: {  	[smem:$0x3FB0] =	sst s2  }
0xb: {  	[smem:$0x3FB1] =	sst s3  }
0xc: {  	[smem:$0x3FB2] =	sst s4  }
0xd: {  	[smem:$0x3FB3] =	sst s5  }
0xe: {  	[smem:$0x3FB4] =	sst s6  }
0xf: {  	[smem:$0x3FB5] =	sst s7  }
0x10: {  	[smem:$0x3FB6] =	sst s8  }
0x11: {  	[smem:$0x3FB7] =	sst s9;
	s0 =	simm.s32 @!p0 $0x0  }
0x12: {  	s1 =	sld [smem:$0x3F9D];
	s0 =	simm.s32 @p0 $0x1  }
0x13: {  	[smem:$0x3FB8] =	sst s0;
	s0 =	simm.s32 @!p1 $0x0  }
0x14: {  	s2 =	sld [smem:$0x3F9C];
	s0 =	simm.s32 @p1 $0x1  }
0x15: {  	[smem:$0x3FB9] =	sst s0;
	s0 =	simm.s32 @!p2 $0x0  }
0x16: {  	s3 =	sld [smem:$0x3FDB];
	s0 =	simm.s32 @p2 $0x1  }
0x17: {  	s4 =	simm.s32 $0x1BF5;
	[smem:$0x3FBB] =	sst s0  }
0x18: {  	s0 =	sld [smem:$0x3F9E];
	_ =	swait.ge [sflag:s4], $0x0  }
0x19: {  	s7 =	sld [smem:$0x3F9F]  }
0x1a: {  	s8 =	sadd.s32 $0xFFFFE003, lr  }
0x1b: {  	s9 =	sadd.s32 $0xFFFFFEF7, lr;
	s5 =	simm.s32 $0xFFFFFFFF;
	p2 =	slt.u32 s8, $0xFFFFF086  }
0x1c: {  	p1 =	slt.u32 s9, $0xF7A;
	s5 =	simm.s32 @!p2 $0x0  }
0x1d: {  	s5 =	simm.s32 @p1 $0x1;
	p0 =	seq.s32 s7, s2  }
0x1e: {  	s7 =	smul.u32 @!p0 $0xF7A, s2;
	p2 =	seq.s32 @!p0 s5, $0x0  }
0x1f: {  	s9 =	smul.u32 $0xF7A, s1;
	s8 =	simm.s32 @!p0 $0x1BF5;
	p2 =	por !p2, p0  }
0x20: {  	[sflag:s8] =	ssyncset.s32 @!p0 $0xFFFFF086;
	s6 =	sadd.s32 @!p0 s3, s7;
	s7 =	simm.s32 @!p0 $0x108  }
0x21: {  	s3 =	sadd.s32 s3, s9;
	s6 =	sadd.s32 @!p0 $0x88, s6;
	s7 =	simm.s32 @p2 $0x1082  }
0x22: {  	[simem:s7], [sflag:s8] =	dma.local @!p0 [hbm:s6], $0xF7A  }
0x23: {  	s9 =	sor.u32 $0xD0000000, s2;
	s6 =	simm.s32 $0x108;
	_ =	swait.ge @!p0 [sflag:s8], $0x0  }
0x24: {  	s3 =	sadd.s32 $0x88, s3;
	s6 =	simm.s32 @!p1 $0x1082;
	[sflag:s4] =	ssyncset.s32 $0xFFFFF086  }
0x25: {  	[simem:s6], [sflag:s4] =	dma.local [hbm:s3], $0xF7A  }
0x26: {  	[smem:$0x3F9F] =	sst s1;
	(tag) =	ssettag s2;
	_ =	strace s9  }
0x27: {  	s1 =	sld [smem:$0x3FAF]  }
0x28: {  	s2 =	sld [smem:$0x3FB0]  }
0x29: {  	s4 =	sld [smem:$0x3FB2]  }
0x2a: {  	p0 =	seq.s32 s5, $0x0;
	s5 =	sld [smem:$0x3FB3]  }
0x2b: {  	s6 =	sld [smem:$0x3FB4]  }
0x2c: {  	s7 =	sld [smem:$0x3FB5]  }
0x2d: {  	s3 =	simm.s32 $0x108;
	s8 =	sld [smem:$0x3FB6]  }
0x2e: {  	s3 =	simm.s32 @!p0 $0x1082;
	s9 =	sld [smem:$0x3FB7]  }
0x2f: {  	lr =	sadd.s32 s0, s3;
	s0 =	sld [smem:$0x3FAE]  }
0x30: {  	s3 =	sld [smem:$0x3FB1]  }
0x31: {  	[smem:$0x3FBA] =	sst s10  }
0x32: {  	s10 =	sld [smem:$0x3FB8];
	_ =	sdelay $0x3  }
0x33: {  	p0 =	seq.s32 s10, $0x1;
	s10 =	sld [smem:$0x3FBA];
	_ =	sdelay $0x3  }
0x34: {  	[smem:$0x3FBA] =	sst s10  }
0x35: {  	s10 =	sld [smem:$0x3FB9];
	_ =	sdelay $0x3  }
0x36: {  	p1 =	seq.s32 s10, $0x1;
	s10 =	sld [smem:$0x3FBA];
	_ =	sdelay $0x3  }
0x37: {  	[smem:$0x3FBA] =	sst s10  }
0x38: {  	s10 =	sld [smem:$0x3FBB]  }
0x39: {  	_ = 	snop;
	(pc) =	sbr.ind lr, $3  }
0x3a: {  	_ = 	snop  }
0x3b: {  	_ = 	snop  }
0x3c: {  	p2 =	seq.s32 s10, $0x1;
	s10 =	sld [smem:$0x3FBA]  }
0x3d: {  	_ =	shalt  }
0x3e: {  	_ =	shalt  }
0x3f: {  	_ =	shalt  }
0x40: {  	_ =	shalt  }
0x41: {  	_ =	shalt  }
0x42: {  	_ =	shalt  }
0x43: {  	_ =	shalt  }
0x44: {  	_ =	shalt  }
0x45: {  	_ =	shalt  }
0x46: {  	_ =	shalt  }
0x47: {  	_ =	shalt  }
0x48: {  	_ =	shalt  }
0x49: {  	_ =	shalt  }
0x4a: {  	_ =	shalt  }
0x4b: {  	_ =	shalt  }
0x4c: {  	_ =	shalt  }
0x4d: {  	_ =	shalt  }
0x4e: {  	_ =	shalt  }
0x4f: {  	_ =	shalt  }
0x50: {  	_ =	shalt  }
0x51: {  	_ =	shalt  }
0x52: {  	_ =	shalt  }
0x53: {  	_ =	shalt  }
0x54: {  	_ =	shalt  }
0x55: {  	_ =	shalt  }
0x56: {  	_ =	shalt  }
0x57: {  	_ =	shalt  }
0x58: {  	_ =	shalt  }
0x59: {  	_ =	shalt  }
0x5a: {  	_ =	shalt  }
0x5b: {  	_ =	shalt  }
0x5c: {  	_ =	shalt  }
0x5d: {  	_ =	shalt  }
0x5e: {  	_ =	shalt  }
0x5f: {  	_ =	shalt  }
0x60: {  	_ =	shalt  }
0x61: {  	_ =	shalt  }
0x62: {  	_ =	shalt  }
0x63: {  	_ =	shalt  }
0x64: {  	_ =	shalt  }
0x65: {  	_ =	shalt  }
0x66: {  	_ =	shalt  }
0x67: {  	_ =	shalt  }
0x68: {  	_ =	shalt  }
0x69: {  	_ =	shalt  }
0x6a: {  	_ =	shalt  }
0x6b: {  	_ =	shalt  }
0x6c: {  	_ =	shalt  }
0x6d: {  	_ =	shalt  }
0x6e: {  	_ =	shalt  }
0x6f: {  	_ =	shalt  }
0x70: {  	_ =	shalt  }
0x71: {  	_ =	shalt  }
0x72: {  	_ =	shalt  }
0x73: {  	_ =	shalt  }
0x74: {  	_ =	shalt  }
0x75: {  	_ =	shalt  }
0x76: {  	_ =	shalt  }
0x77: {  	_ =	shalt  }
0x78: {  	_ =	shalt  }
0x79: {  	_ =	shalt  }
0x7a: {  	_ =	shalt  }
0x7b: {  	_ =	shalt  }
0x7c: {  	_ =	shalt  }
0x7d: {  	_ =	shalt  }
0x7e: {  	_ =	shalt  }
0x7f: {  	_ =	shalt  }
0x80: {  	_ =	shalt  }
0x81: {  	_ =	shalt  }
0x82: {  	_ =	shalt  }
0x83: {  	_ =	shalt  }
0x84: {  	_ =	shalt  }
0x85: {  	_ =	shalt  }
0x86: {  	_ =	shalt  }
0x87: {  	_ =	shalt  }
.Lfunc_end0:
.L_simem_size_0:
called_computation_lowered:
.L_overlay_start_0:
0x88: {  	s2 =	sld [smem:$0x3FD9]  }
0x89: {  	s3 =	sld [smem:$0x3FFE];
	_ =	sdelay $0x1  }
0x8a: {  	s1 =	srdreg.scid  }
0x8b: {  	s0 =	sand.u32 $0x1, s1  }
0x8c: {  	s18 =	sshll.u32 s0, $0xA;
	s2 =	sadd.s32 s3, s2  }
0x8d: {  	s2 =	sadd.s32 s2, s18  }
0x8e: {  	[smem:$0x3FC6] =	sst s2  }
0x8f: {  	_ = 	snop  }
0x90: {  	s2 =	sld [smem:$0x3FC9]  }
0x91: {  	s19 =	sld [smem:$0x3FC8]  }
0x92: {  	s4 =	sld [smem:$0x3FD0];
	(tm) =	ssettm $0x1  }
0x93: {  	s5 =	sld [smem:$0x3FFB];
	_ =	sdelay $0x3  }
0x94: {  	_ =	strace s5  }
0x95: {  	s5 =	sld [smem:$0x3FFC];
	_ =	sdelay $0x3  }
0x96: {  	_ =	strace s5  }
0x97: {  	s5 =	sld [smem:$0x3FFD];
	_ =	sdelay $0x3  }
0x98: {  	_ =	strace s5  }
0x99: {  	_ =	strace $0x8FFFFFFF  }
0x9a: {  	s20 =	sld [smem:$0x3FDB];
	_ =	sdelay $0x1  }
0x9b: {  	s6 =	simm.s32 $_scs_section_size  }
0x9c: {  	s7 =	simm.s32 $_size__tile_overlayer_lowered;
	s8 =	simm.s32 $_tile_overlayer_lowered  }
0x9d: {  	s23 =	simm.s32 $0x1BFF;
	s22 =	sshll.u32 s8, $0x1;
	s5 =	sadd.s32 s6, s20  }
0x9e: {  	s9 =	simm.s32 $0x0;
	s21 =	sshll.u32 s7, $0x1;
	s7 =	sadd.s32 s22, s5  }
0x9f: {  	[timem:s9], [sflag:s23] =	dma.local [hbm:s7], s21  }
0xa0: {  	_ =	swait.ge [sflag:s23], s21  }
0xa1: {  	s6 =	ssub.s32 $0x0, s21;
	[sflag:s23] =	ssyncset.done $0x0  }
0xa2: {  	[sflag:s23] =	ssyncadd.s32 s6;
	_ =	sdelay $0x1  }
0xa3: {  	s24 =	simm.s32 $0x1B8B  }
0xa4: {  	_ =	swait.ge [sflag:s24], $0x1  }
0xa5: {  	[sflag:s24] =	ssyncset.done $0x0  }
0xa6: {  	s25 =	simm.s32 $0x1B8E;
	[sflag:s24] =	ssyncadd.s32 $0xFFFFFFFF  }
0xa7: {  	s26 =	simm.s32 $execute0_lowered;
	[smem:$0x3FD2] =	sst s25  }
0xa8: {  	s6 =	sshll.u32 s26, $0x1;
	_ =	strace $0x80000046;
	[dreg:$0x1] =	wrdreg $0xFFFFFFFF  }
0xa9: {  	s28 =	simm.s32 $_size_execute0_lowered;
	s5 =	sadd.s32 s5, s6;
	[dreg:$0x0] =	wrdreg $0x0  }
0xaa: {  	s6 =	sshll.u32 s28, $0x1;
	[dreg:$0x2] =	wrdreg s5  }
0xab: {  	[dreg:$0x3] =	wrdreg s6  }
0xac: {  	[dreg:$0x4] =	wrdreg $0xC0  }
0xad: {  	_ =	task [dreg:s9], $0x5FFFF  }
0xae: {  	[dreg:$0x1] =	wrdreg $0xFFFFFFFF  }
0xaf: {  	[dreg:$0x0] =	wrdreg $0x60  }
0xb0: {  	[dreg:$0x2] =	wrdreg s2  }
0xb1: {  	[dreg:$0x3] =	wrdreg s19  }
0xb2: {  	[dreg:$0x4] =	wrdreg s4  }
0xb3: {  	[dreg:$0x5] =	wrdreg $0x9  }
0xb4: {  	_ =	task.clear_ibuf [dreg:s9], $0x6FFFF;
	_ =	strace $0x90000046  }
0xb5: {  	s29 =	simm.s32 $0x9;
	_ =	strace $0x80000048  }
0xb6: {  	_ =	swait.ge [sflag:s29], $0x1  }
0xb7: {  	[sflag:s29] =	ssyncadd.s32 $0xFFFFFFFF  }
0xb8: {  	_ =	strace $0x90000048  }
0xb9: {  	_ =	sfence  }
0xba: {  	s30 =	sld [smem:$0x0];
	_ =	sdelay $0x2  }
0xbb: {  	s31 =	sshll.u32 s1, $0xD;
	s1 =	sshrl.u32 s1, $0x2  }
0xbc: {  	s3 =	sand.u32 $0x4000, s31;
	s1 =	sadd.s32 s1, s30  }
0xbd: {  	s0 =	sor.u32 s3, s0;
	s1 =	sshll.u32 s1, $0x11  }
0xbe: {  	s0 =	sor.u32 s1, s0  }
0xbf: {  	s0 =	sadd.s32 $0x8F2B, s0  }
0xc0: {  	[sflag:s0] =	ssyncadd.remote.s32 $0x1  }
0xc1: {  	_ =	sfence.sel $0xFFFF  }
0xc2: {  	[dreg:$0x0] =	wrdreg $0xFFFFFFFF;
	(pc) =	sbr.abs _section_cstart, $3  }
0xc3: {  	[dreg:$0x1] =	wrdreg $0xFFFFFFFF  }
0xc4: {  	_ =	task.clear_ibuf [dreg:s9], $0x2FFFF;
	_ =	strace $0x9FFFFFFF  }
0xc5: {  	(tm) =	ssettm $0x7FFFFFFF  }
tec
execute0_lowered:
.L_overlay_start_1:
0x0: {  	(tag) =	ssettag $0x1  }
0x1: {  	s1 =	rddreg [dreg:$0x0]  }
0x2: {  	s2 =	srdreg.scid;
	s4 =	rddreg [dreg:$0x1]  }
0x3: {  	s0 =	stileid.u32;
	s6 =	rddreg [dreg:$0x2];
	s5 =	sand.u32 $0x1, s2  }
0x4: {  	s10 =	simm.s32 $0x0;
	s3 =	sshll.u32 s0, $0xC;
	s7 =	sshll.u32 s5, $0xB  }
0x5: {  	s2 =	rddreg [dreg:$0x3];
	s5 =	ssub.s32 $0x2, s5;
	s7 =	sor.u32 s7, s3  }
0x6: {  	s3 =	simm.s32 $0x0;
	s8 =	sshrl.u32 s5, $0x1;
	s7 =	sshrl.u32 s7, $0x3  }
0x7: {  	[smem:$0x7FF] =	sst s3;
	s5 =	ssub.s32 s5, s8;
	s9 =	smul.u32 $0x300, s7  }
0x8: {  	s8 =	simm.s32 $0x1;
	_ =	strace $0x80000047;
	s4 =	sadd.s32 s4, s7  }
0x9: {  	s5 =	smax.u32 s5, $0x1;
	s7 =	simm.s32 $0x3;
	s6 =	sadd.s32 s9, s6  }
0xa: {  	s9 =	simm.s32 $0x2;
	[dreg:$0x4] =	wrdreg s6;
	s6 =	simm.s32 $0x800  }
.LBB2_1:
0xb: {  	[tilespmem:s6], [sflag:$0x3] =	stream.linear.gather [hbm4b:s1+s3], $0x3000, $0x38;
	[tilespmem:$0x3800] =	vst v63  }
0xc: {  	_ =	swait.ge [sflag:s7], $0x3000  }
0xd: {  	[sflag:s7] =	ssyncset.done $0x0  }
0xe: {  	[sflag:s7] =	ssyncadd.s32 $0xFFFFD000  }
0xf: {  	[tilespmem:s3], [sflag:$0x3] =	stream.linear.gather [hbm4b:s4+s3], $0x800, $0x38;
	[tilespmem:$0x3800] =	vst v63  }
0x10: {  	_ =	swait.ge [sflag:s7], $0x800  }
0x11: {  	[sflag:s7] =	ssyncset.done $0x0  }
0x12: {  	s11 =	simm.s32 $0x0;
	s12 =	simm.s32 $0x0;
	[sflag:s7] =	ssyncadd.s32 $0xFFFFF800  }
.LBB2_2:
0x13: {  	v0 =	vld [tilespmem:s11+$0x0];
	_ =	sdelay $0x4  }
0x14: {  	(v2sf) =	vpush v0, $0x0;
	_ =	sdelay $0xe  }
0x15: {  	s13 =	spop (v2sf)  }
0x16: {  	(v2sf) =	vpush v0, $0x1;
	s14 =	sshrl.u32 s13, $0x3  }
0x17: {  	s14 =	smul.u32 $0x6000, s14  }
0x18: {  	s13 =	sshll.u32 s13, $0x7  }
0x19: {  	s13 =	sand.u32 $0x380, s13;
	s14 =	sshra.s32 s14, $0x2  }
0x1a: {  	s15 =	rddreg [dreg:$0x4];
	s14 =	sor.u32 s13, s14  }
0x1b: {  	s13 =	sadd.s32 s12, s15;
	s16 =	sadd.s32 $0x800, s14  }
0x1c: {  	[hbm4b:s13+s3] =	stream.linear.scatter [tilespmem:s16], [sflag:$0x1], $0x80, $0x38;
	[tilespmem:$0x3800] =	vst v63  }
0x1d: {  	s30 =	sadd.s32 $0xC00, s14;
	s31 =	sadd.s32 $0x80, s13  }
0x1e: {  	[hbm4b:s31+s3] =	stream.linear.scatter [tilespmem:s30], [sflag:$0x1], $0x80, $0x38;
	[tilespmem:$0x3800] =	vst v63  }
0x1f: {  	s17 =	sadd.s32 $0x1000, s14;
	s18 =	sadd.s32 $0x100, s13  }
0x20: {  	[hbm4b:s18+s3] =	stream.linear.scatter [tilespmem:s17], [sflag:$0x1], $0x80, $0x38;
	[tilespmem:$0x3800] =	vst v63  }
0x21: {  	s19 =	sadd.s32 $0x1400, s14;
	s20 =	sadd.s32 $0x180, s13  }
0x22: {  	[hbm4b:s20+s3] =	stream.linear.scatter [tilespmem:s19], [sflag:$0x1], $0x80, $0x38;
	[tilespmem:$0x3800] =	vst v63  }
0x23: {  	s21 =	sadd.s32 $0x1800, s14;
	s22 =	sadd.s32 $0x200, s13  }
0x24: {  	[hbm4b:s22+s3] =	stream.linear.scatter [tilespmem:s21], [sflag:$0x1], $0x80, $0x38;
	[tilespmem:$0x3800] =	vst v63  }
0x25: {  	s24 =	spop (v2sf)  }
0x26: {  	s14 =	sadd.s32 $0x1C00, s14;
	s23 =	sadd.s32 $0x280, s13;
	s25 =	sshrl.u32 s24, $0x3  }
0x27: {  	(v2sf) =	vpush v0, $0x2;
	[hbm4b:s23+s3] =	stream.linear.scatter [tilespmem:s14], [sflag:$0x1], $0x80, $0x38;
	[tilespmem:$0x3800] =	vst v63  }
0x28: {  	s15 =	smul.u32 $0x6000, s25  }
0x29: {  	s14 =	sshll.u32 s24, $0x7  }
0x2a: {  	s14 =	sand.u32 $0x380, s14;
	s15 =	sshra.s32 s15, $0x2  }
0x2b: {  	s14 =	sor.u32 s14, s15  }
0x2c: {  	s26 =	sadd.s32 $0x10, s13;
	s15 =	sadd.s32 $0x800, s14  }
0x2d: {  	[hbm4b:s26+s3] =	stream.linear.scatter [tilespmem:s15], [sflag:$0x2], $0x80, $0x38;
	[tilespmem:$0x3800] =	vst v63  }
0x2e: {  	s29 =	sadd.s32 $0x90, s13;
	s28 =	sadd.s32 $0xC00, s14  }
0x2f: {  	[hbm4b:s29+s3] =	stream.linear.scatter [tilespmem:s28], [sflag:$0x2], $0x80, $0x38;
	[tilespmem:$0x3800] =	vst v63  }
0x30: {  	s31 =	sadd.s32 $0x110, s13;
	s30 =	sadd.s32 $0x1000, s14  }
0x31: {  	[hbm4b:s31+s3] =	stream.linear.scatter [tilespmem:s30], [sflag:$0x2], $0x80, $0x38;
	[tilespmem:$0x3800] =	vst v63  }
0x32: {  	s18 =	sadd.s32 $0x190, s13;
	s17 =	sadd.s32 $0x1400, s14  }
0x33: {  	[hbm4b:s18+s3] =	stream.linear.scatter [tilespmem:s17], [sflag:$0x2], $0x80, $0x38;
	[tilespmem:$0x3800] =	vst v63  }
0x34: {  	s20 =	sadd.s32 $0x210, s13;
	s19 =	sadd.s32 $0x1800, s14  }
0x35: {  	[hbm4b:s20+s3] =	stream.linear.scatter [tilespmem:s19], [sflag:$0x2], $0x80, $0x38;
	[tilespmem:$0x3800] =	vst v63  }
0x36: {  	s22 =	spop (v2sf)  }
0x37: {  	s21 =	sadd.s32 $0x290, s13;
	s14 =	sadd.s32 $0x1C00, s14;
	s23 =	sshrl.u32 s22, $0x3  }
0x38: {  	(v2sf) =	vpush v0, $0x3;
	[hbm4b:s21+s3] =	stream.linear.scatter [tilespmem:s14], [sflag:$0x2], $0x80, $0x38;
	[tilespmem:$0x3800] =	vst v63  }
0x39: {  	s15 =	smul.u32 $0x6000, s23  }
0x3a: {  	s14 =	sshll.u32 s22, $0x7  }
0x3b: {  	s14 =	sand.u32 $0x380, s14;
	s15 =	sshra.s32 s15, $0x2  }
0x3c: {  	s14 =	sor.u32 s14, s15  }
0x3d: {  	s24 =	sadd.s32 $0x20, s13;
	s15 =	sadd.s32 $0x800, s14  }
0x3e: {  	[hbm4b:s24+s3] =	stream.linear.scatter [tilespmem:s15], [sflag:$0x1], $0x80, $0x38;
	[tilespmem:$0x3800] =	vst v63  }
0x3f: {  	s26 =	sadd.s32 $0xA0, s13;
	s25 =	sadd.s32 $0xC00, s14  }
0x40: {  	[hbm4b:s26+s3] =	stream.linear.scatter [tilespmem:s25], [sflag:$0x1], $0x80, $0x38;
	[tilespmem:$0x3800] =	vst v63  }
0x41: {  	s29 =	sadd.s32 $0x120, s13;
	s28 =	sadd.s32 $0x1000, s14  }
0x42: {  	[hbm4b:s29+s3] =	stream.linear.scatter [tilespmem:s28], [sflag:$0x1], $0x80, $0x38;
	[tilespmem:$0x3800] =	vst v63  }
0x43: {  	s31 =	sadd.s32 $0x1A0, s13;
	s30 =	sadd.s32 $0x1400, s14  }
0x44: {  	[hbm4b:s31+s3] =	stream.linear.scatter [tilespmem:s30], [sflag:$0x1], $0x80, $0x38;
	[tilespmem:$0x3800] =	vst v63  }
0x45: {  	s17 =	sadd.s32 $0x220, s13;
	s16 =	sadd.s32 $0x1800, s14  }
0x46: {  	[hbm4b:s17+s3] =	stream.linear.scatter [tilespmem:s16], [sflag:$0x1], $0x80, $0x38;
	[tilespmem:$0x3800] =	vst v63  }
0x47: {  	s19 =	spop (v2sf)  }
0x48: {  	s18 =	sadd.s32 $0x2A0, s13;
	s14 =	sadd.s32 $0x1C00, s14;
	s20 =	sshrl.u32 s19, $0x3  }
0x49: {  	(v2sf) =	vpush v0, $0x4;
	[hbm4b:s18+s3] =	stream.linear.scatter [tilespmem:s14], [sflag:$0x1], $0x80, $0x38;
	[tilespmem:$0x3800] =	vst v63  }
0x4a: {  	s15 =	smul.u32 $0x6000, s20  }
0x4b: {  	s14 =	sshll.u32 s19, $0x7  }
0x4c: {  	s14 =	sand.u32 $0x380, s14;
	s15 =	sshra.s32 s15, $0x2  }
0x4d: {  	s14 =	sor.u32 s14, s15  }
0x4e: {  	s21 =	sadd.s32 $0x30, s13;
	s15 =	sadd.s32 $0x800, s14  }
0x4f: {  	[hbm4b:s21+s3] =	stream.linear.scatter [tilespmem:s15], [sflag:$0x2], $0x80, $0x38;
	[tilespmem:$0x3800] =	vst v63  }
0x50: {  	s23 =	sadd.s32 $0xB0, s13;
	s22 =	sadd.s32 $0xC00, s14  }
0x51: {  	[hbm4b:s23+s3] =	stream.linear.scatter [tilespmem:s22], [sflag:$0x2], $0x80, $0x38;
	[tilespmem:$0x3800] =	vst v63  }
0x52: {  	s25 =	sadd.s32 $0x130, s13;
	s24 =	sadd.s32 $0x1000, s14  }
0x53: {  	[hbm4b:s25+s3] =	stream.linear.scatter [tilespmem:s24], [sflag:$0x2], $0x80, $0x38;
	[tilespmem:$0x3800] =	vst v63  }
0x54: {  	s28 =	sadd.s32 $0x1B0, s13;
	s26 =	sadd.s32 $0x1400, s14  }
0x55: {  	[hbm4b:s28+s3] =	stream.linear.scatter [tilespmem:s26], [sflag:$0x2], $0x80, $0x38;
	[tilespmem:$0x3800] =	vst v63  }
0x56: {  	s30 =	sadd.s32 $0x230, s13;
	s29 =	sadd.s32 $0x1800, s14  }
0x57: {  	[hbm4b:s30+s3] =	stream.linear.scatter [tilespmem:s29], [sflag:$0x2], $0x80, $0x38;
	[tilespmem:$0x3800] =	vst v63  }
0x58: {  	s16 =	spop (v2sf)  }
0x59: {  	s31 =	sadd.s32 $0x2B0, s13;
	s14 =	sadd.s32 $0x1C00, s14;
	s17 =	sshrl.u32 s16, $0x3  }
0x5a: {  	(v2sf) =	vpush v0, $0x5;
	[hbm4b:s31+s3] =	stream.linear.scatter [tilespmem:s14], [sflag:$0x2], $0x80, $0x38;
	[tilespmem:$0x3800] =	vst v63  }
0x5b: {  	s15 =	smul.u32 $0x6000, s17  }
0x5c: {  	s14 =	sshll.u32 s16, $0x7  }
0x5d: {  	s14 =	sand.u32 $0x380, s14;
	s15 =	sshra.s32 s15, $0x2  }
0x5e: {  	s14 =	sor.u32 s14, s15  }
0x5f: {  	s18 =	sadd.s32 $0x40, s13;
	s15 =	sadd.s32 $0x800, s14  }
0x60: {  	[hbm4b:s18+s3] =	stream.linear.scatter [tilespmem:s15], [sflag:$0x1], $0x80, $0x38;
	[tilespmem:$0x3800] =	vst v63  }
0x61: {  	s20 =	sadd.s32 $0xC0, s13;
	s19 =	sadd.s32 $0xC00, s14  }
0x62: {  	[hbm4b:s20+s3] =	stream.linear.scatter [tilespmem:s19], [sflag:$0x1], $0x80, $0x38;
	[tilespmem:$0x3800] =	vst v63  }
0x63: {  	s22 =	sadd.s32 $0x140, s13;
	s21 =	sadd.s32 $0x1000, s14  }
0x64: {  	[hbm4b:s22+s3] =	stream.linear.scatter [tilespmem:s21], [sflag:$0x1], $0x80, $0x38;
	[tilespmem:$0x3800] =	vst v63  }
0x65: {  	s24 =	sadd.s32 $0x1C0, s13;
	s23 =	sadd.s32 $0x1400, s14  }
0x66: {  	[hbm4b:s24+s3] =	stream.linear.scatter [tilespmem:s23], [sflag:$0x1], $0x80, $0x38;
	[tilespmem:$0x3800] =	vst v63  }
0x67: {  	s26 =	sadd.s32 $0x240, s13;
	s25 =	sadd.s32 $0x1800, s14  }
0x68: {  	[hbm4b:s26+s3] =	stream.linear.scatter [tilespmem:s25], [sflag:$0x1], $0x80, $0x38;
	[tilespmem:$0x3800] =	vst v63  }
0x69: {  	s29 =	spop (v2sf)  }
0x6a: {  	s28 =	sadd.s32 $0x2C0, s13;
	s14 =	sadd.s32 $0x1C00, s14;
	s30 =	sshrl.u32 s29, $0x3  }
0x6b: {  	(v2sf) =	vpush v0, $0x6;
	[hbm4b:s28+s3] =	stream.linear.scatter [tilespmem:s14], [sflag:$0x1], $0x80, $0x38;
	[tilespmem:$0x3800] =	vst v63  }
0x6c: {  	s15 =	smul.u32 $0x6000, s30  }
0x6d: {  	s14 =	sshll.u32 s29, $0x7  }
0x6e: {  	s14 =	sand.u32 $0x380, s14;
	s15 =	sshra.s32 s15, $0x2  }
0x6f: {  	s14 =	sor.u32 s14, s15  }
0x70: {  	s31 =	sadd.s32 $0x50, s13;
	s15 =	sadd.s32 $0x800, s14  }
0x71: {  	[hbm4b:s31+s3] =	stream.linear.scatter [tilespmem:s15], [sflag:$0x2], $0x80, $0x38;
	[tilespmem:$0x3800] =	vst v63  }
0x72: {  	s18 =	sadd.s32 $0xD0, s13;
	s17 =	sadd.s32 $0xC00, s14  }
0x73: {  	[hbm4b:s18+s3] =	stream.linear.scatter [tilespmem:s17], [sflag:$0x2], $0x80, $0x38;
	[tilespmem:$0x3800] =	vst v63  }
0x74: {  	s20 =	sadd.s32 $0x150, s13;
	s19 =	sadd.s32 $0x1000, s14  }
0x75: {  	[hbm4b:s20+s3] =	stream.linear.scatter [tilespmem:s19], [sflag:$0x2], $0x80, $0x38;
	[tilespmem:$0x3800] =	vst v63  }
0x76: {  	s22 =	sadd.s32 $0x1D0, s13;
	s21 =	sadd.s32 $0x1400, s14  }
0x77: {  	[hbm4b:s22+s3] =	stream.linear.scatter [tilespmem:s21], [sflag:$0x2], $0x80, $0x38;
	[tilespmem:$0x3800] =	vst v63  }
0x78: {  	s24 =	sadd.s32 $0x250, s13;
	s23 =	sadd.s32 $0x1800, s14  }
0x79: {  	[hbm4b:s24+s3] =	stream.linear.scatter [tilespmem:s23], [sflag:$0x2], $0x80, $0x38;
	[tilespmem:$0x3800] =	vst v63  }
0x7a: {  	s26 =	spop (v2sf)  }
0x7b: {  	s25 =	sadd.s32 $0x2D0, s13;
	s14 =	sadd.s32 $0x1C00, s14;
	s28 =	sshrl.u32 s26, $0x3  }
0x7c: {  	(v2sf) =	vpush v0, $0x7;
	[hbm4b:s25+s3] =	stream.linear.scatter [tilespmem:s14], [sflag:$0x2], $0x80, $0x38;
	[tilespmem:$0x3800] =	vst v63  }
0x7d: {  	s15 =	smul.u32 $0x6000, s28  }
0x7e: {  	s14 =	sshll.u32 s26, $0x7  }
0x7f: {  	s14 =	sand.u32 $0x380, s14;
	s15 =	sshra.s32 s15, $0x2  }
0x80: {  	s14 =	sor.u32 s14, s15  }
0x81: {  	s29 =	sadd.s32 $0x60, s13;
	s15 =	sadd.s32 $0x800, s14  }
0x82: {  	[hbm4b:s29+s3] =	stream.linear.scatter [tilespmem:s15], [sflag:$0x1], $0x80, $0x38;
	[tilespmem:$0x3800] =	vst v63  }
0x83: {  	s31 =	sadd.s32 $0xE0, s13;
	s30 =	sadd.s32 $0xC00, s14  }
0x84: {  	[hbm4b:s31+s3] =	stream.linear.scatter [tilespmem:s30], [sflag:$0x1], $0x80, $0x38;
	[tilespmem:$0x3800] =	vst v63  }
0x85: {  	s18 =	sadd.s32 $0x160, s13;
	s17 =	sadd.s32 $0x1000, s14  }
0x86: {  	[hbm4b:s18+s3] =	stream.linear.scatter [tilespmem:s17], [sflag:$0x1], $0x80, $0x38;
	[tilespmem:$0x3800] =	vst v63  }
0x87: {  	s20 =	sadd.s32 $0x1E0, s13;
	s19 =	sadd.s32 $0x1400, s14  }
0x88: {  	[hbm4b:s20+s3] =	stream.linear.scatter [tilespmem:s19], [sflag:$0x1], $0x80, $0x38;
	[tilespmem:$0x3800] =	vst v63  }
0x89: {  	s22 =	sadd.s32 $0x260, s13;
	s21 =	sadd.s32 $0x1800, s14  }
0x8a: {  	[hbm4b:s22+s3] =	stream.linear.scatter [tilespmem:s21], [sflag:$0x1], $0x80, $0x38;
	[tilespmem:$0x3800] =	vst v63  }
0x8b: {  	s24 =	spop (v2sf)  }
0x8c: {  	s23 =	sadd.s32 $0x2E0, s13;
	s14 =	sadd.s32 $0x1C00, s14;
	s25 =	sshrl.u32 s24, $0x3  }
0x8d: {  	(v2sf) =	vpush v0, $0x8;
	[hbm4b:s23+s3] =	stream.linear.scatter [tilespmem:s14], [sflag:$0x1], $0x80, $0x38;
	[tilespmem:$0x3800] =	vst v63  }
0x8e: {  	s15 =	smul.u32 $0x6000, s25  }
0x8f: {  	s14 =	sshll.u32 s24, $0x7  }
0x90: {  	s14 =	sand.u32 $0x380, s14;
	s15 =	sshra.s32 s15, $0x2  }
0x91: {  	s14 =	sor.u32 s14, s15  }
0x92: {  	s26 =	sadd.s32 $0x70, s13;
	s15 =	sadd.s32 $0x800, s14  }
0x93: {  	[hbm4b:s26+s3] =	stream.linear.scatter [tilespmem:s15], [sflag:$0x2], $0x80, $0x38;
	[tilespmem:$0x3800] =	vst v63  }
0x94: {  	s29 =	sadd.s32 $0xF0, s13;
	s28 =	sadd.s32 $0xC00, s14  }
0x95: {  	[hbm4b:s29+s3] =	stream.linear.scatter [tilespmem:s28], [sflag:$0x2], $0x80, $0x38;
	[tilespmem:$0x3800] =	vst v63  }
0x96: {  	s31 =	sadd.s32 $0x170, s13;
	s30 =	sadd.s32 $0x1000, s14  }
0x97: {  	[hbm4b:s31+s3] =	stream.linear.scatter [tilespmem:s30], [sflag:$0x2], $0x80, $0x38;
	[tilespmem:$0x3800] =	vst v63  }
0x98: {  	s18 =	sadd.s32 $0x1F0, s13;
	s17 =	sadd.s32 $0x1400, s14  }
0x99: {  	[hbm4b:s18+s3] =	stream.linear.scatter [tilespmem:s17], [sflag:$0x2], $0x80, $0x38;
	[tilespmem:$0x3800] =	vst v63  }
0x9a: {  	s20 =	sadd.s32 $0x270, s13;
	s19 =	sadd.s32 $0x1800, s14  }
0x9b: {  	[hbm4b:s20+s3] =	stream.linear.scatter [tilespmem:s19], [sflag:$0x2], $0x80, $0x38;
	[tilespmem:$0x3800] =	vst v63  }
0x9c: {  	s22 =	spop (v2sf)  }
0x9d: {  	s21 =	sadd.s32 $0x2F0, s13;
	s14 =	sadd.s32 $0x1C00, s14;
	s23 =	sshrl.u32 s22, $0x3  }
0x9e: {  	(v2sf) =	vpush v0, $0x9;
	[hbm4b:s21+s3] =	stream.linear.scatter [tilespmem:s14], [sflag:$0x2], $0x80, $0x38;
	[tilespmem:$0x3800] =	vst v63  }
0x9f: {  	s15 =	smul.u32 $0x6000, s23  }
0xa0: {  	s14 =	sshll.u32 s22, $0x7  }
0xa1: {  	s14 =	sand.u32 $0x380, s14;
	s15 =	sshra.s32 s15, $0x2  }
0xa2: {  	s14 =	sor.u32 s14, s15  }
0xa3: {  	s24 =	sadd.s32 $0x300, s13;
	s15 =	sadd.s32 $0x800, s14  }
0xa4: {  	[hbm4b:s24+s3] =	stream.linear.scatter [tilespmem:s15], [sflag:$0x1], $0x80, $0x38;
	[tilespmem:$0x3800] =	vst v63  }
0xa5: {  	s26 =	sadd.s32 $0x380, s13;
	s25 =	sadd.s32 $0xC00, s14  }
0xa6: {  	[hbm4b:s26+s3] =	stream.linear.scatter [tilespmem:s25], [sflag:$0x1], $0x80, $0x38;
	[tilespmem:$0x3800] =	vst v63  }
0xa7: {  	s29 =	sadd.s32 $0x400, s13;
	s28 =	sadd.s32 $0x1000, s14  }
0xa8: {  	[hbm4b:s29+s3] =	stream.linear.scatter [tilespmem:s28], [sflag:$0x1], $0x80, $0x38;
	[tilespmem:$0x3800] =	vst v63  }
0xa9: {  	s31 =	sadd.s32 $0x480, s13;
	s30 =	sadd.s32 $0x1400, s14  }
0xaa: {  	[hbm4b:s31+s3] =	stream.linear.scatter [tilespmem:s30], [sflag:$0x1], $0x80, $0x38;
	[tilespmem:$0x3800] =	vst v63  }
0xab: {  	s17 =	sadd.s32 $0x500, s13;
	s16 =	sadd.s32 $0x1800, s14  }
0xac: {  	[hbm4b:s17+s3] =	stream.linear.scatter [tilespmem:s16], [sflag:$0x1], $0x80, $0x38;
	[tilespmem:$0x3800] =	vst v63  }
0xad: {  	s19 =	spop (v2sf)  }
0xae: {  	s18 =	sadd.s32 $0x580, s13;
	s14 =	sadd.s32 $0x1C00, s14;
	s20 =	sshrl.u32 s19, $0x3  }
0xaf: {  	(v2sf) =	vpush v0, $0xA;
	[hbm4b:s18+s3] =	stream.linear.scatter [tilespmem:s14], [sflag:$0x1], $0x80, $0x38;
	[tilespmem:$0x3800] =	vst v63  }
0xb0: {  	s15 =	smul.u32 $0x6000, s20  }
0xb1: {  	s14 =	sshll.u32 s19, $0x7  }
0xb2: {  	s14 =	sand.u32 $0x380, s14;
	s15 =	sshra.s32 s15, $0x2  }
0xb3: {  	s14 =	sor.u32 s14, s15  }
0xb4: {  	s21 =	sadd.s32 $0x310, s13;
	s15 =	sadd.s32 $0x800, s14  }
0xb5: {  	[hbm4b:s21+s3] =	stream.linear.scatter [tilespmem:s15], [sflag:$0x2], $0x80, $0x38;
	[tilespmem:$0x3800] =	vst v63  }
0xb6: {  	s23 =	sadd.s32 $0x390, s13;
	s22 =	sadd.s32 $0xC00, s14  }
0xb7: {  	[hbm4b:s23+s3] =	stream.linear.scatter [tilespmem:s22], [sflag:$0x2], $0x80, $0x38;
	[tilespmem:$0x3800] =	vst v63  }
0xb8: {  	s25 =	sadd.s32 $0x410, s13;
	s24 =	sadd.s32 $0x1000, s14  }
0xb9: {  	[hbm4b:s25+s3] =	stream.linear.scatter [tilespmem:s24], [sflag:$0x2], $0x80, $0x38;
	[tilespmem:$0x3800] =	vst v63  }
0xba: {  	s28 =	sadd.s32 $0x490, s13;
	s26 =	sadd.s32 $0x1400, s14  }
0xbb: {  	[hbm4b:s28+s3] =	stream.linear.scatter [tilespmem:s26], [sflag:$0x2], $0x80, $0x38;
	[tilespmem:$0x3800] =	vst v63  }
0xbc: {  	s30 =	sadd.s32 $0x510, s13;
	s29 =	sadd.s32 $0x1800, s14  }
0xbd: {  	[hbm4b:s30+s3] =	stream.linear.scatter [tilespmem:s29], [sflag:$0x2], $0x80, $0x38;
	[tilespmem:$0x3800] =	vst v63  }
0xbe: {  	s16 =	spop (v2sf)  }
0xbf: {  	s31 =	sadd.s32 $0x590, s13;
	s14 =	sadd.s32 $0x1C00, s14;
	s17 =	sshrl.u32 s16, $0x3  }
0xc0: {  	(v2sf) =	vpush v0, $0xB;
	[hbm4b:s31+s3] =	stream.linear.scatter [tilespmem:s14], [sflag:$0x2], $0x80, $0x38;
	[tilespmem:$0x3800] =	vst v63  }
0xc1: {  	s15 =	smul.u32 $0x6000, s17  }
0xc2: {  	s14 =	sshll.u32 s16, $0x7  }
0xc3: {  	s14 =	sand.u32 $0x380, s14;
	s15 =	sshra.s32 s15, $0x2  }
0xc4: {  	s14 =	sor.u32 s14, s15  }
0xc5: {  	s18 =	sadd.s32 $0x320, s13;
	s15 =	sadd.s32 $0x800, s14  }
0xc6: {  	[hbm4b:s18+s3] =	stream.linear.scatter [tilespmem:s15], [sflag:$0x1], $0x80, $0x38;
	[tilespmem:$0x3800] =	vst v63  }
0xc7: {  	s20 =	sadd.s32 $0x3A0, s13;
	s19 =	sadd.s32 $0xC00, s14  }
0xc8: {  	[hbm4b:s20+s3] =	stream.linear.scatter [tilespmem:s19], [sflag:$0x1], $0x80, $0x38;
	[tilespmem:$0x3800] =	vst v63  }
0xc9: {  	s22 =	sadd.s32 $0x420, s13;
	s21 =	sadd.s32 $0x1000, s14  }
0xca: {  	[hbm4b:s22+s3] =	stream.linear.scatter [tilespmem:s21], [sflag:$0x1], $0x80, $0x38;
	[tilespmem:$0x3800] =	vst v63  }
0xcb: {  	s24 =	sadd.s32 $0x4A0, s13;
	s23 =	sadd.s32 $0x1400, s14  }
0xcc: {  	[hbm4b:s24+s3] =	stream.linear.scatter [tilespmem:s23], [sflag:$0x1], $0x80, $0x38;
	[tilespmem:$0x3800] =	vst v63  }
0xcd: {  	s26 =	sadd.s32 $0x520, s13;
	s25 =	sadd.s32 $0x1800, s14  }
0xce: {  	[hbm4b:s26+s3] =	stream.linear.scatter [tilespmem:s25], [sflag:$0x1], $0x80, $0x38;
	[tilespmem:$0x3800] =	vst v63  }
0xcf: {  	s29 =	spop (v2sf)  }
0xd0: {  	s28 =	sadd.s32 $0x5A0, s13;
	s14 =	sadd.s32 $0x1C00, s14;
	s30 =	sshrl.u32 s29, $0x3  }
0xd1: {  	(v2sf) =	vpush v0, $0xC;
	[hbm4b:s28+s3] =	stream.linear.scatter [tilespmem:s14], [sflag:$0x1], $0x80, $0x38;
	[tilespmem:$0x3800] =	vst v63  }
0xd2: {  	s15 =	smul.u32 $0x6000, s30  }
0xd3: {  	s14 =	sshll.u32 s29, $0x7  }
0xd4: {  	s14 =	sand.u32 $0x380, s14;
	s15 =	sshra.s32 s15, $0x2  }
0xd5: {  	s14 =	sor.u32 s14, s15  }
0xd6: {  	s31 =	sadd.s32 $0x330, s13;
	s15 =	sadd.s32 $0x800, s14  }
0xd7: {  	[hbm4b:s31+s3] =	stream.linear.scatter [tilespmem:s15], [sflag:$0x2], $0x80, $0x38;
	[tilespmem:$0x3800] =	vst v63  }
0xd8: {  	s18 =	sadd.s32 $0x3B0, s13;
	s17 =	sadd.s32 $0xC00, s14  }
0xd9: {  	[hbm4b:s18+s3] =	stream.linear.scatter [tilespmem:s17], [sflag:$0x2], $0x80, $0x38;
	[tilespmem:$0x3800] =	vst v63  }
0xda: {  	s20 =	sadd.s32 $0x430, s13;
	s19 =	sadd.s32 $0x1000, s14  }
0xdb: {  	[hbm4b:s20+s3] =	stream.linear.scatter [tilespmem:s19], [sflag:$0x2], $0x80, $0x38;
	[tilespmem:$0x3800] =	vst v63  }
0xdc: {  	s22 =	sadd.s32 $0x4B0, s13;
	s21 =	sadd.s32 $0x1400, s14  }
0xdd: {  	[hbm4b:s22+s3] =	stream.linear.scatter [tilespmem:s21], [sflag:$0x2], $0x80, $0x38;
	[tilespmem:$0x3800] =	vst v63  }
0xde: {  	s24 =	sadd.s32 $0x530, s13;
	s23 =	sadd.s32 $0x1800, s14  }
0xdf: {  	[hbm4b:s24+s3] =	stream.linear.scatter [tilespmem:s23], [sflag:$0x2], $0x80, $0x38;
	[tilespmem:$0x3800] =	vst v63  }
0xe0: {  	s26 =	spop (v2sf)  }
0xe1: {  	s25 =	sadd.s32 $0x5B0, s13;
	s14 =	sadd.s32 $0x1C00, s14;
	s28 =	sshrl.u32 s26, $0x3  }
0xe2: {  	(v2sf) =	vpush v0, $0xD;
	[hbm4b:s25+s3] =	stream.linear.scatter [tilespmem:s14], [sflag:$0x2], $0x80, $0x38;
	[tilespmem:$0x3800] =	vst v63  }
0xe3: {  	s15 =	smul.u32 $0x6000, s28  }
0xe4: {  	s14 =	sshll.u32 s26, $0x7  }
0xe5: {  	s14 =	sand.u32 $0x380, s14;
	s15 =	sshra.s32 s15, $0x2  }
0xe6: {  	s14 =	sor.u32 s14, s15  }
0xe7: {  	s29 =	sadd.s32 $0x340, s13;
	s15 =	sadd.s32 $0x800, s14  }
0xe8: {  	[hbm4b:s29+s3] =	stream.linear.scatter [tilespmem:s15], [sflag:$0x1], $0x80, $0x38;
	[tilespmem:$0x3800] =	vst v63  }
0xe9: {  	s31 =	sadd.s32 $0x3C0, s13;
	s30 =	sadd.s32 $0xC00, s14  }
0xea: {  	[hbm4b:s31+s3] =	stream.linear.scatter [tilespmem:s30], [sflag:$0x1], $0x80, $0x38;
	[tilespmem:$0x3800] =	vst v63  }
0xeb: {  	s18 =	sadd.s32 $0x440, s13;
	s17 =	sadd.s32 $0x1000, s14  }
0xec: {  	[hbm4b:s18+s3] =	stream.linear.scatter [tilespmem:s17], [sflag:$0x1], $0x80, $0x38;
	[tilespmem:$0x3800] =	vst v63  }
0xed: {  	s20 =	sadd.s32 $0x4C0, s13;
	s19 =	sadd.s32 $0x1400, s14  }
0xee: {  	[hbm4b:s20+s3] =	stream.linear.scatter [tilespmem:s19], [sflag:$0x1], $0x80, $0x38;
	[tilespmem:$0x3800] =	vst v63  }
0xef: {  	s22 =	sadd.s32 $0x540, s13;
	s21 =	sadd.s32 $0x1800, s14  }
0xf0: {  	[hbm4b:s22+s3] =	stream.linear.scatter [tilespmem:s21], [sflag:$0x1], $0x80, $0x38;
	[tilespmem:$0x3800] =	vst v63  }
0xf1: {  	s24 =	spop (v2sf)  }
0xf2: {  	s23 =	sadd.s32 $0x5C0, s13;
	s14 =	sadd.s32 $0x1C00, s14;
	s25 =	sshrl.u32 s24, $0x3  }
0xf3: {  	(v2sf) =	vpush v0, $0xE;
	[hbm4b:s23+s3] =	stream.linear.scatter [tilespmem:s14], [sflag:$0x1], $0x80, $0x38;
	[tilespmem:$0x3800] =	vst v63  }
0xf4: {  	s15 =	smul.u32 $0x6000, s25  }
0xf5: {  	s14 =	sshll.u32 s24, $0x7  }
0xf6: {  	s14 =	sand.u32 $0x380, s14;
	s15 =	sshra.s32 s15, $0x2  }
0xf7: {  	s14 =	sor.u32 s14, s15  }
0xf8: {  	s26 =	sadd.s32 $0x350, s13;
	s15 =	sadd.s32 $0x800, s14  }
0xf9: {  	[hbm4b:s26+s3] =	stream.linear.scatter [tilespmem:s15], [sflag:$0x2], $0x80, $0x38;
	[tilespmem:$0x3800] =	vst v63  }
0xfa: {  	s29 =	sadd.s32 $0x3D0, s13;
	s28 =	sadd.s32 $0xC00, s14  }
0xfb: {  	[hbm4b:s29+s3] =	stream.linear.scatter [tilespmem:s28], [sflag:$0x2], $0x80, $0x38;
	[tilespmem:$0x3800] =	vst v63  }
0xfc: {  	s31 =	sadd.s32 $0x450, s13;
	s30 =	sadd.s32 $0x1000, s14  }
0xfd: {  	[hbm4b:s31+s3] =	stream.linear.scatter [tilespmem:s30], [sflag:$0x2], $0x80, $0x38;
	[tilespmem:$0x3800] =	vst v63  }
0xfe: {  	s18 =	sadd.s32 $0x4D0, s13;
	s17 =	sadd.s32 $0x1400, s14  }
0xff: {  	[hbm4b:s18+s3] =	stream.linear.scatter [tilespmem:s17], [sflag:$0x2], $0x80, $0x38;
	[tilespmem:$0x3800] =	vst v63  }
0x100: {  	s20 =	sadd.s32 $0x550, s13;
	s19 =	sadd.s32 $0x1800, s14  }
0x101: {  	[hbm4b:s20+s3] =	stream.linear.scatter [tilespmem:s19], [sflag:$0x2], $0x80, $0x38;
	[tilespmem:$0x3800] =	vst v63  }
0x102: {  	s22 =	spop (v2sf)  }
0x103: {  	s21 =	sadd.s32 $0x5D0, s13;
	s14 =	sadd.s32 $0x1C00, s14;
	s23 =	sshrl.u32 s22, $0x3  }
0x104: {  	(v2sf) =	vpush v0, $0xF;
	[hbm4b:s21+s3] =	stream.linear.scatter [tilespmem:s14], [sflag:$0x2], $0x80, $0x38;
	[tilespmem:$0x3800] =	vst v63  }
0x105: {  	s15 =	smul.u32 $0x6000, s23  }
0x106: {  	s14 =	sshll.u32 s22, $0x7  }
0x107: {  	s14 =	sand.u32 $0x380, s14;
	s15 =	sshra.s32 s15, $0x2  }
0x108: {  	s14 =	sor.u32 s14, s15  }
0x109: {  	s24 =	sadd.s32 $0x360, s13;
	s15 =	sadd.s32 $0x800, s14  }
0x10a: {  	[hbm4b:s24+s3] =	stream.linear.scatter [tilespmem:s15], [sflag:$0x1], $0x80, $0x38;
	[tilespmem:$0x3800] =	vst v63  }
0x10b: {  	s26 =	sadd.s32 $0x3E0, s13;
	s25 =	sadd.s32 $0xC00, s14  }
0x10c: {  	[hbm4b:s26+s3] =	stream.linear.scatter [tilespmem:s25], [sflag:$0x1], $0x80, $0x38;
	[tilespmem:$0x3800] =	vst v63  }
0x10d: {  	s29 =	sadd.s32 $0x460, s13;
	s28 =	sadd.s32 $0x1000, s14  }
0x10e: {  	[hbm4b:s29+s3] =	stream.linear.scatter [tilespmem:s28], [sflag:$0x1], $0x80, $0x38;
	[tilespmem:$0x3800] =	vst v63  }
0x10f: {  	s31 =	sadd.s32 $0x4E0, s13;
	s30 =	sadd.s32 $0x1400, s14  }
0x110: {  	[hbm4b:s31+s3] =	stream.linear.scatter [tilespmem:s30], [sflag:$0x1], $0x80, $0x38;
	[tilespmem:$0x3800] =	vst v63  }
0x111: {  	s18 =	sadd.s32 $0x560, s13;
	s17 =	sadd.s32 $0x1800, s14  }
0x112: {  	[hbm4b:s18+s3] =	stream.linear.scatter [tilespmem:s17], [sflag:$0x1], $0x80, $0x38;
	[tilespmem:$0x3800] =	vst v63  }
0x113: {  	s20 =	spop (v2sf)  }
0x114: {  	s19 =	sadd.s32 $0x5E0, s13;
	s14 =	sadd.s32 $0x1C00, s14;
	s21 =	sshrl.u32 s20, $0x3  }
0x115: {  	[hbm4b:s19+s3] =	stream.linear.scatter [tilespmem:s14], [sflag:$0x1], $0x80, $0x38;
	[tilespmem:$0x3800] =	vst v63  }
0x116: {  	s15 =	smul.u32 $0x6000, s21  }
0x117: {  	s14 =	sshll.u32 s20, $0x7  }
0x118: {  	s14 =	sand.u32 $0x380, s14;
	s15 =	sshra.s32 s15, $0x2  }
0x119: {  	s14 =	sor.u32 s14, s15  }
0x11a: {  	s22 =	sadd.s32 $0x370, s13;
	s15 =	sadd.s32 $0x800, s14  }
0x11b: {  	[hbm4b:s22+s3] =	stream.linear.scatter [tilespmem:s15], [sflag:$0x2], $0x80, $0x38;
	[tilespmem:$0x3800] =	vst v63  }
0x11c: {  	s24 =	sadd.s32 $0x3F0, s13;
	s23 =	sadd.s32 $0xC00, s14  }
0x11d: {  	[hbm4b:s24+s3] =	stream.linear.scatter [tilespmem:s23], [sflag:$0x2], $0x80, $0x38;
	[tilespmem:$0x3800] =	vst v63  }
0x11e: {  	s26 =	sadd.s32 $0x470, s13;
	s25 =	sadd.s32 $0x1000, s14  }
0x11f: {  	[hbm4b:s26+s3] =	stream.linear.scatter [tilespmem:s25], [sflag:$0x2], $0x80, $0x38;
	[tilespmem:$0x3800] =	vst v63  }
0x120: {  	p0 =	sne.s32 s12, $0x2FA00;
	s29 =	sadd.s32 $0x4F0, s13;
	s28 =	sadd.s32 $0x1400, s14  }
0x121: {  	[hbm4b:s29+s3] =	stream.linear.scatter [tilespmem:s28], [sflag:$0x2], $0x80, $0x38;
	[tilespmem:$0x3800] =	vst v63  }
.Ltmp0:
0x122: {  	_ = 	snop;
	(pc) =	sbr.rel @p0 .LBB2_2-.Ltmp0, $4  }
0x123: {  	s11 =	sadd.s32 $0x10, s11;
	s31 =	sadd.s32 $0x570, s13;
	s30 =	sadd.s32 $0x1800, s14  }
0x124: {  	[hbm4b:s31+s3] =	stream.linear.scatter [tilespmem:s30], [sflag:$0x2], $0x80, $0x38;
	[tilespmem:$0x3800] =	vst v63  }
0x125: {  	s12 =	sadd.s32 $0x600, s12;
	s13 =	sadd.s32 $0x5F0, s13;
	s14 =	sadd.s32 $0x1C00, s14  }
0x126: {  	[hbm4b:s13+s3] =	stream.linear.scatter [tilespmem:s14], [sflag:$0x2], $0x80, $0x38;
	[tilespmem:$0x3800] =	vst v63  }
0x127: {  	s10 =	sadd.s32 $0x1, s10  }
0x128: {  	_ =	swait.ge [sflag:s8], $0x18000;
	p0 =	sne.s32 s10, s5  }
.Ltmp1:
0x129: {  	[sflag:s8] =	ssyncset.done $0x0;
	(pc) =	sbr.rel @p0 .LBB2_1-.Ltmp1, $4  }
0x12a: {  	[sflag:s8] =	ssyncadd.s32 $0xFFFE8000  }
0x12b: {  	_ =	swait.ge [sflag:s9], $0x18000  }
0x12c: {  	[sflag:s9] =	ssyncset.done $0x0  }
0x12d: {  	[sflag:s9] =	ssyncadd.s32 $0xFFFE8000  }
0x12e: {  	_ =	sfence.sel $0x180000  }
0x12f: {  	[bflag:$0x0] =	sbarrier.arrive $0xFFFF  }
0x130: {  	p0 =	sne.s32 s0, $0x0;
	_ =	strace $0x90000047  }
0x131: {  	s0 =	sadd.s32 @!p0 $0x100000, s2;
	[bflag:$0x2] =	sbarrier.arrive $0xFFFF  }
0x132: {  	[sflag:s0] =	ssyncadd.tile.s32 @!p0 $0x1;
	_ =	shalt  }
.Lfunc_end2:
_tile_overlayer_lowered:
.L_overlay_start_2:
0x133: {  	(tag) =	ssettag $0x2  }
0x134: {  	s0 =	rddreg [dreg:$0x0];
	s2 =	stileid.u32  }
0x135: {  	s1 =	rddreg [dreg:$0x1];
	p0 =	sne.s32 s2, $0x0  }
0x136: {  	s3 =	rddreg [dreg:$0x2];
	[bflag:$0x3] =	sbarrier.arrive $0xFFFF;
	s2 =	simm.s32 @!p0 $0x1C03  }
0x137: {  	[timem:s3], [sflag:s2] =	dma.local @!p0 [hbm:s0], s1  }
0x138: {  	s0 =	simm.s32 @!p0 $0x3  }
0x139: {  	_ =	swait.ge @!p0 [sflag:s0], s1  }
0x13a: {  	s1 =	ssub.s32 @!p0 $0x0, s1;
	[sflag:s0] =	ssyncset.done @!p0 $0x0  }
0x13b: {  	[sflag:s0] =	ssyncadd.s32 @!p0 s1  }
0x13c: {  	[bflag:$0x3] =	sbarrier.arrive $0xFFFF  }
0x13d: {  	_ =	shalt  }

</sc_bundles>
